<compile_context>
chip_gen: v7x
topology: tpu7x:2x2x1
jax: 0.10.2.dev20260603
libtpu: 0.0.44.dev20260713+nightly
codegen_flags: <defaults>
</compile_context>

<pallas_src>
import dataclasses

import jax
import jax.numpy as jnp
from jax import lax
from jax.experimental import pallas as pl
from jax.experimental.pallas import tpu as pltpu
from jax.experimental.pallas import tpu_sc as plsc

N = 10000
N_PAD = 10240
D = 128
E = 320000
NC, NS = 2, 16
EPW = E // (NC * NS)
CHUNK = 400
NCHUNK = EPW // CHUNK
CHUNK2 = 80
NCHUNK2 = EPW // CHUNK2
GROUPS = CHUNK2 // 16
ROWS_PER_TILE = N_PAD // NS
BE = 4096
NBLK = -(-E // BE)


def _mm_body(h_ref, w_ref, o_ref):
    o_ref[...] = jnp.dot(h_ref[...], w_ref[...],
                         preferred_element_type=jnp.float32)


def _matmul(H, W):
    return pl.pallas_call(
        _mm_body,
        out_shape=jax.ShapeDtypeStruct((N, D), jnp.float32),
    )(H, W)


def _sc_params():
    cp = pltpu.CompilerParams()
    if "needs_layout_passes" in pltpu.CompilerParams.__dataclass_fields__:
        cp = dataclasses.replace(cp, needs_layout_passes=False)
    return cp


def _gather_body(hp_hbm, src_hbm, dst_hbm, sout_hbm, dout_hbm,
                 sidx, didx, srows, drows, sem_g, sem_w):
    cid = lax.axis_index("c")
    sid = lax.axis_index("s")
    wid = cid * NS + sid
    ebase = wid * EPW

    pltpu.sync_copy(src_hbm.at[pl.ds(ebase, EPW)], sidx)
    pltpu.sync_copy(dst_hbm.at[pl.ds(ebase, EPW)], didx)

    @pl.loop(0, NCHUNK)
    def _chunk(c):
        off = ebase + c * CHUNK
        ga = pltpu.async_copy(
            hp_hbm.at[sidx.at[pl.ds(c * CHUNK, CHUNK)]], srows, sem_g)
        gb = pltpu.async_copy(
            hp_hbm.at[didx.at[pl.ds(c * CHUNK, CHUNK)]], drows, sem_g)
        ga.wait()
        gb.wait()
        wa = pltpu.async_copy(srows, sout_hbm.at[pl.ds(off, CHUNK)], sem_w)
        wb = pltpu.async_copy(drows, dout_hbm.at[pl.ds(off, CHUNK)], sem_w)
        wa.wait()
        wb.wait()


def _gather_pass(H_prime, src, dst):
    mesh = plsc.VectorSubcoreMesh(core_axis_name="c", subcore_axis_name="s")
    kern = pl.kernel(
        _gather_body,
        out_type=(jax.ShapeDtypeStruct((E, D), jnp.float32),
                  jax.ShapeDtypeStruct((E, D), jnp.float32)),
        mesh=mesh,
        scratch_types=[
            pltpu.VMEM((EPW,), jnp.int32),
            pltpu.VMEM((EPW,), jnp.int32),
            pltpu.VMEM((CHUNK, D), jnp.float32),
            pltpu.VMEM((CHUNK, D), jnp.float32),
            pltpu.SemaphoreType.DMA,
            pltpu.SemaphoreType.DMA,
        ],
        compiler_params=_sc_params(),
    )
    return kern(H_prime, src, dst)


def _score_body(s_ref, d_ref, sc_ref, ex_ref):
    s = s_ref[...]
    d = d_ref[...]
    sc = jnp.dot(s * d, jnp.ones((D, 1), jnp.float32),
                 preferred_element_type=jnp.float32)
    sc = jnp.where(sc > 0.0, sc, sc * 0.2)
    ex2 = jnp.exp(sc)
    exb = jnp.dot(ex2, jnp.ones((1, D), jnp.float32),
                  preferred_element_type=jnp.float32)
    sc_ref[...] = d * exb
    ex_ref[...] = ex2[:, 0]


def _score_pass(SRC, DST):
    scaled, ex = pl.pallas_call(
        _score_body,
        grid=(NBLK,),
        in_specs=[
            pl.BlockSpec((BE, D), lambda i: (i, 0)),
            pl.BlockSpec((BE, D), lambda i: (i, 0)),
        ],
        out_specs=[
            pl.BlockSpec((BE, D), lambda i: (i, 0)),
            pl.BlockSpec((BE,), lambda i: (i,)),
        ],
        out_shape=(jax.ShapeDtypeStruct((E, D), jnp.float32),
                   jax.ShapeDtypeStruct((E,), jnp.float32)),
    )(SRC, DST)
    return scaled, ex


def _scatter_body(scaled_hbm, ex_hbm, src_hbm, zero_hbm, zero1_hbm,
                  acc_hbm, dout_hbm,
                  sidx, sidx_c, rows, exv, acc_sh, den_sh, sem_r):
    cid = lax.axis_index("c")
    sid = lax.axis_index("s")
    r0 = sid * ROWS_PER_TILE

    pltpu.sync_copy(zero_hbm.at[pl.ds(r0, ROWS_PER_TILE)],
                    acc_sh.at[pl.ds(r0, ROWS_PER_TILE)])
    pltpu.sync_copy(zero1_hbm.at[pl.ds(r0, ROWS_PER_TILE)],
                    den_sh.at[pl.ds(r0, ROWS_PER_TILE)])

    plsc.subcore_barrier()

    wid = cid * NS + sid
    ebase = wid * EPW
    lanes = lax.iota(jnp.int32, 16)

    pltpu.sync_copy(src_hbm.at[pl.ds(ebase, EPW)], sidx)
    pltpu.sync_copy(ex_hbm.at[pl.ds(ebase, EPW)], exv)

    @pl.loop(0, NCHUNK2)
    def _chunk(c):
        off = ebase + c * CHUNK2
        rd = pltpu.async_copy(scaled_hbm.at[pl.ds(off, CHUNK2)], rows,
                              sem_r)
        for k in range(GROUPS):
            sidx_c[pl.ds(k * 16, 16)] = plsc.load_gather(
                sidx, [lanes + c * CHUNK2 + k * 16])

        rd.wait()
        pltpu.sync_copy(rows, acc_sh.at[sidx_c], add=True)
        pltpu.sync_copy(exv.at[pl.ds(c * CHUNK2, CHUNK2)],
                        den_sh.at[sidx_c], add=True)

    plsc.subcore_barrier()
    pltpu.sync_copy(acc_sh.at[pl.ds(r0, ROWS_PER_TILE)],
                    acc_hbm.at[cid, pl.ds(r0, ROWS_PER_TILE)])
    pltpu.sync_copy(den_sh.at[pl.ds(r0, ROWS_PER_TILE)],
                    dout_hbm.at[cid, pl.ds(r0, ROWS_PER_TILE)])


def _scatter_pass(scaled, ex, src, zeros, zeros1):
    mesh = plsc.VectorSubcoreMesh(core_axis_name="c", subcore_axis_name="s")
    kern = pl.kernel(
        _scatter_body,
        out_type=(jax.ShapeDtypeStruct((NC, N_PAD, D), jnp.float32),
                  jax.ShapeDtypeStruct((NC, N_PAD), jnp.float32)),
        mesh=mesh,
        scratch_types=[
            pltpu.VMEM((EPW,), jnp.int32),
            pltpu.VMEM((CHUNK2,), jnp.int32),
            pltpu.VMEM((CHUNK2, D), jnp.float32),
            pltpu.VMEM((EPW,), jnp.float32),
            pltpu.VMEM_SHARED((N_PAD, D), jnp.float32),
            pltpu.VMEM_SHARED((N_PAD,), jnp.float32),
            pltpu.SemaphoreType.DMA,
        ],
        compiler_params=_sc_params(),
    )
    return kern(scaled, ex, src, zeros, zeros1)


def _combine_body(a_ref, d_ref, b_ref, o_ref):
    num = a_ref[0] + a_ref[1]
    den = d_ref[0] + d_ref[1]
    o_ref[...] = num / (den + 1e-10) + b_ref[...]


def _combine(acc, den, bias):
    return pl.pallas_call(
        _combine_body,
        out_shape=jax.ShapeDtypeStruct((N, D), jnp.float32),
    )(acc, den, bias.reshape(1, D))


def kernel(H, edge_index, W, bias):
    src = edge_index[0].astype(jnp.int32)
    dst = edge_index[1].astype(jnp.int32)
    H_prime = _matmul(H, W)
    SRC, DST = _gather_pass(H_prime, src, dst)
    scaled, ex = _score_pass(SRC, DST)
    zeros = jnp.zeros((N_PAD, D), jnp.float32)
    zeros1 = jnp.zeros((N_PAD,), jnp.float32)
    acc, den = _scatter_pass(scaled, ex, src, zeros, zeros1)
    acc_n = acc[:, :N, :]
    den_n = den[:, :N].reshape(NC, N, 1)
    return _combine(acc_n, den_n, bias)

# --- scband reference (transcript-rebuilt; emitter-appended) ---
"""Pipeline reference for scband-hyper-graph-attention-88055419503319 (READ-ONLY COPY).

The authoritative reference and input builder live on the scoring server;
editing this copy changes nothing except your own understanding.
"""

import jax, jax.numpy as jnp
import numpy as np

N_NODES = 10000
N_EDGES = 320000
D_IN = 128
D_OUT = 128


def setup_inputs(seed: int = 0) -> dict:
    key = jax.random.key(seed)
    k1, k2, k3, k4 = jax.random.split(key, 4)
    H = jax.random.normal(k1, (N_NODES, D_IN), dtype=jnp.float32)
    edge_index = jax.random.randint(k2, (2, N_EDGES), 0, N_NODES, dtype=jnp.int64)
    std = 1.0 / np.sqrt(D_OUT)
    W = jax.random.uniform(k3, (D_IN, D_OUT), dtype=jnp.float32, minval=-std, maxval=std)
    bias = jax.random.uniform(k4, (D_OUT,), dtype=jnp.float32, minval=-std, maxval=std)
    return {"H": H, "edge_index": edge_index, "W": W, "bias": bias}


def reference(H, edge_index, W, bias):
    # H_prime = H @ W
    H_prime = jnp.dot(H, W)
    n = H_prime.shape[0]
    src = edge_index[0]  # row indices i (attention rows / softmax segments)
    dst = edge_index[1]  # neighbor indices j
    # edge attention: leaky_relu(<H'[i], H'[j]>), negative_slope=0.2
    scores = jax.nn.leaky_relu(jnp.sum(H_prime[src] * H_prime[dst], axis=1), negative_slope=0.2)
    # sparse softmax over rows (segment softmax by src)
    exp_values = jnp.exp(scores)
    sum_exp = jax.ops.segment_sum(exp_values, src, num_segments=n)
    norm_values = exp_values / (sum_exp[src] + 1e-10)
    # sparse (attention) x dense (H_prime) matmul via scatter-add
    H_out = jnp.zeros_like(H_prime).at[src].add(norm_values[:, None] * H_prime[dst])
    return H_out + bias

if __name__ == "__main__":
    import jax
    _d = setup_inputs()
    print(jax.jit(kernel)(*tuple(_d.values())))

</pallas_src>

<mosaic_0001>
#map = affine_map<(d0, d1) -> (0, 0)>
#map1 = affine_map<(d0, d1) -> (0)>
#map2 = affine_map<(d0, d1) -> (0, 0, 0)>
module attributes {stable_mosaic.version = 14 : i64} {
  func.func @_scatter_body(%arg0: i32, %arg1: i32, %arg2: memref<320000x128xf32, #tpu.memory_space<hbm>>, %arg3: memref<320000xf32, #tpu.memory_space<hbm>>, %arg4: memref<320000xi32, #tpu.memory_space<hbm>>, %arg5: memref<10240x128xf32, #tpu.memory_space<hbm>>, %arg6: memref<10240xf32, #tpu.memory_space<hbm>>, %arg7: memref<2x10240x128xf32, #tpu.memory_space<hbm>>, %arg8: memref<2x10240xf32, #tpu.memory_space<hbm>>, %arg9: memref<10000xi32, #tpu.memory_space<vmem>>, %arg10: memref<80xi32, #tpu.memory_space<vmem>>, %arg11: memref<80x128xf32, #tpu.memory_space<vmem>>, %arg12: memref<10000xf32, #tpu.memory_space<vmem>>, %arg13: memref<10240x128xf32, #tpu.memory_space<vmem_shared>>, %arg14: memref<10240xf32, #tpu.memory_space<vmem_shared>>, %arg15: memref<!tpu.dma_semaphore, #tpu.memory_space<semaphore_mem>>) attributes {dimension_semantics = [#tpu.dimension_semantics<core_parallel>, #tpu.dimension_semantics<subcore_parallel>], iteration_bounds = array<i64: 2, 16>, scalar_prefetch = 0 : i64, scratch_operands = 7 : i64, tpu.core_type = #tpu.core_type<sc_vector_subcore>, window_params = [{transform_indices = #map}, {transform_indices = #map1}, {transform_indices = #map1}, {transform_indices = #map}, {transform_indices = #map1}, {transform_indices = #map2}, {transform_indices = #map}]} {
    %mul3A = arith.constant 640 : i32
    %mul3A_0 = arith.muli %arg1, %mul3A : i32
    "tpu.region"() ({
      %run_scoped3A = tpu.sem_alloc : memref<!tpu.dma_semaphore, #tpu.memory_space<semaphore_mem>>
      %dma_start3A = arith.constant 0 : i32
      %dma_start3A_10 = tpu.memref_slice %arg13[%mul3A_0, %dma_start3A] : memref<10240x128xf32, #tpu.memory_space<vmem_shared>> -> memref<640x128xf32, #tpu.memory_space<vmem_shared>>
      %dma_start3A_11 = arith.constant 0 : i32
      %dma_start3A_12 = tpu.memref_slice %arg5[%mul3A_0, %dma_start3A_11] : memref<10240x128xf32, #tpu.memory_space<hbm>> -> memref<640x128xf32, #tpu.memory_space<hbm>>
      tpu.enqueue_dma source(%dma_start3A_12 : memref<640x128xf32, #tpu.memory_space<hbm>>) target(%dma_start3A_10 : memref<640x128xf32, #tpu.memory_space<vmem_shared>>) target_semaphore(%run_scoped3A : memref<!tpu.dma_semaphore, #tpu.memory_space<semaphore_mem>>)
      %dma_wait3A = arith.constant 0 : i32
      %dma_wait3A_13 = tpu.memref_slice %arg13[%mul3A_0, %dma_wait3A] : memref<10240x128xf32, #tpu.memory_space<vmem_shared>> -> memref<640x128xf32, #tpu.memory_space<vmem_shared>>
      %dma_wait3A_14 = arith.constant 0 : i32
      %dma_wait3A_15 = tpu.memref_slice %arg5[%mul3A_0, %dma_wait3A_14] : memref<10240x128xf32, #tpu.memory_space<hbm>> -> memref<640x128xf32, #tpu.memory_space<hbm>>
      tpu.wait_dma2 semaphore(%run_scoped3A : memref<!tpu.dma_semaphore, #tpu.memory_space<semaphore_mem>>) src(%dma_wait3A_15 : memref<640x128xf32, #tpu.memory_space<hbm>>) dst(%dma_wait3A_13 : memref<640x128xf32, #tpu.memory_space<vmem_shared>>)
      tpu.yield
    }) : () -> ()
    "tpu.region"() ({
      %run_scoped3A = tpu.sem_alloc : memref<!tpu.dma_semaphore, #tpu.memory_space<semaphore_mem>>
      %dma_start3A = tpu.memref_slice %arg14[%mul3A_0] : memref<10240xf32, #tpu.memory_space<vmem_shared>> -> memref<640xf32, #tpu.memory_space<vmem_shared>>
      %dma_start3A_10 = tpu.memref_slice %arg6[%mul3A_0] : memref<10240xf32, #tpu.memory_space<hbm>> -> memref<640xf32, #tpu.memory_space<hbm>>
      tpu.enqueue_dma source(%dma_start3A_10 : memref<640xf32, #tpu.memory_space<hbm>>) target(%dma_start3A : memref<640xf32, #tpu.memory_space<vmem_shared>>) target_semaphore(%run_scoped3A : memref<!tpu.dma_semaphore, #tpu.memory_space<semaphore_mem>>)
      %dma_wait3A = tpu.memref_slice %arg14[%mul3A_0] : memref<10240xf32, #tpu.memory_space<vmem_shared>> -> memref<640xf32, #tpu.memory_space<vmem_shared>>
      %dma_wait3A_11 = tpu.memref_slice %arg6[%mul3A_0] : memref<10240xf32, #tpu.memory_space<hbm>> -> memref<640xf32, #tpu.memory_space<hbm>>
      tpu.wait_dma2 semaphore(%run_scoped3A : memref<!tpu.dma_semaphore, #tpu.memory_space<semaphore_mem>>) src(%dma_wait3A_11 : memref<640xf32, #tpu.memory_space<hbm>>) dst(%dma_wait3A : memref<640xf32, #tpu.memory_space<vmem_shared>>)
      tpu.yield
    }) : () -> ()
    %barrier3A = arith.constant 0 : index
    tpu.barrier barrier_id(%barrier3A)
    %mul3A_1 = arith.constant 16 : i32
    %mul3A_2 = arith.muli %arg0, %mul3A_1 : i32
    %add3A = arith.addi %mul3A_2, %arg1 : i32
    %mul3A_3 = arith.constant 10000 : i32
    %mul3A_4 = arith.muli %add3A, %mul3A_3 : i32
    %iota3A = tpu.iota {dimensions = array<i32: 0>} : vector<16xi32>
    "tpu.region"() ({
      %run_scoped3A = tpu.sem_alloc : memref<!tpu.dma_semaphore, #tpu.memory_space<semaphore_mem>>
      %dma_start3A = tpu.memref_slice %arg4[%mul3A_4] : memref<320000xi32, #tpu.memory_space<hbm>> -> memref<10000xi32, #tpu.memory_space<hbm>>
      %dma_start3A_10 = tpu.memref_slice %arg4[%mul3A_4] : memref<320000xi32, #tpu.memory_space<hbm>> -> memref<10000xi32, #tpu.memory_space<hbm>>
      tpu.enqueue_dma source(%dma_start3A_10 : memref<10000xi32, #tpu.memory_space<hbm>>) target(%arg9 : memref<10000xi32, #tpu.memory_space<vmem>>) target_semaphore(%run_scoped3A : memref<!tpu.dma_semaphore, #tpu.memory_space<semaphore_mem>>)
      %dma_wait3A = tpu.memref_slice %arg4[%mul3A_4] : memref<320000xi32, #tpu.memory_space<hbm>> -> memref<10000xi32, #tpu.memory_space<hbm>>
      %dma_wait3A_11 = tpu.memref_slice %arg4[%mul3A_4] : memref<320000xi32, #tpu.memory_space<hbm>> -> memref<10000xi32, #tpu.memory_space<hbm>>
      tpu.wait_dma2 semaphore(%run_scoped3A : memref<!tpu.dma_semaphore, #tpu.memory_space<semaphore_mem>>) src(%dma_wait3A_11 : memref<10000xi32, #tpu.memory_space<hbm>>) dst(%arg9 : memref<10000xi32, #tpu.memory_space<vmem>>)
      tpu.yield
    }) : () -> ()
    "tpu.region"() ({
      %run_scoped3A = tpu.sem_alloc : memref<!tpu.dma_semaphore, #tpu.memory_space<semaphore_mem>>
      %dma_start3A = tpu.memref_slice %arg3[%mul3A_4] : memref<320000xf32, #tpu.memory_space<hbm>> -> memref<10000xf32, #tpu.memory_space<hbm>>
      %dma_start3A_10 = tpu.memref_slice %arg3[%mul3A_4] : memref<320000xf32, #tpu.memory_space<hbm>> -> memref<10000xf32, #tpu.memory_space<hbm>>
      tpu.enqueue_dma source(%dma_start3A_10 : memref<10000xf32, #tpu.memory_space<hbm>>) target(%arg12 : memref<10000xf32, #tpu.memory_space<vmem>>) target_semaphore(%run_scoped3A : memref<!tpu.dma_semaphore, #tpu.memory_space<semaphore_mem>>)
      %dma_wait3A = tpu.memref_slice %arg3[%mul3A_4] : memref<320000xf32, #tpu.memory_space<hbm>> -> memref<10000xf32, #tpu.memory_space<hbm>>
      %dma_wait3A_11 = tpu.memref_slice %arg3[%mul3A_4] : memref<320000xf32, #tpu.memory_space<hbm>> -> memref<10000xf32, #tpu.memory_space<hbm>>
      tpu.wait_dma2 semaphore(%run_scoped3A : memref<!tpu.dma_semaphore, #tpu.memory_space<semaphore_mem>>) src(%dma_wait3A_11 : memref<10000xf32, #tpu.memory_space<hbm>>) dst(%arg12 : memref<10000xf32, #tpu.memory_space<vmem>>)
      tpu.yield
    }) : () -> ()
    %scan3A = arith.constant 0 : i32
    %scan3A_5 = arith.constant 125 : i32
    %scan3A_6 = arith.addi %scan3A, %scan3A_5 : i32
    %scan3A_7 = arith.constant 1 : i32
    scf.for %scan3A_10 = %scan3A to %scan3A_6 step %scan3A_7  : i32 {
      %mul3A_11 = arith.constant 1 : i32
      %mul3A_12 = arith.muli %scan3A_10, %mul3A_11 : i32
      %add3A_13 = arith.constant 0 : i32
      %add3A_14 = arith.addi %add3A_13, %mul3A_12 : i32
      %mul3A_15 = arith.constant 80 : i32
      %mul3A_16 = arith.muli %add3A_14, %mul3A_15 : i32
      %add3A_17 = arith.addi %mul3A_4, %mul3A_16 : i32
      %dma_start3A = arith.constant 0 : i32
      %dma_start3A_18 = tpu.memref_slice %arg2[%add3A_17, %dma_start3A] : memref<320000x128xf32, #tpu.memory_space<hbm>> -> memref<80x128xf32, #tpu.memory_space<hbm>>
      %dma_start3A_19 = arith.constant 0 : i32
      %dma_start3A_20 = tpu.memref_slice %arg2[%add3A_17, %dma_start3A_19] : memref<320000x128xf32, #tpu.memory_space<hbm>> -> memref<80x128xf32, #tpu.memory_space<hbm>>
      tpu.enqueue_dma source(%dma_start3A_20 : memref<80x128xf32, #tpu.memory_space<hbm>>) target(%arg11 : memref<80x128xf32, #tpu.memory_space<vmem>>) target_semaphore(%arg15 : memref<!tpu.dma_semaphore, #tpu.memory_space<semaphore_mem>>)
      %mul3A_21 = arith.constant 80 : i32
      %mul3A_22 = arith.muli %add3A_14, %mul3A_21 : i32
      %add3A_23 = vector.broadcast %mul3A_22 : i32 to vector<16xi32>
      %add3A_24 = arith.addi %iota3A, %add3A_23 : vector<16xi32>
      %add3A_25 = arith.constant 0 : i32
      %add3A_26 = vector.broadcast %add3A_25 : i32 to vector<16xi32>
      %add3A_27 = arith.addi %add3A_24, %add3A_26 : vector<16xi32>
      %gather3A = tpu.vector_load_idx %arg9[%add3A_27] : memref<10000xi32, #tpu.memory_space<vmem>>[vector<16xi32>], vector<16xi32>,
      %swap3A = arith.constant 0 : index
      %swap3A_28 = tpu.vector_load %arg10[%swap3A] {strides = array<i32>} : memref<80xi32, #tpu.memory_space<vmem>>, vector<16xi32>,
      tpu.vector_store %arg10[%swap3A], %gather3A {strides = array<i32>} : memref<80xi32, #tpu.memory_space<vmem>>, vector<16xi32>,
      %mul3A_29 = arith.constant 80 : i32
      %mul3A_30 = arith.muli %add3A_14, %mul3A_29 : i32
      %add3A_31 = vector.broadcast %mul3A_30 : i32 to vector<16xi32>
      %add3A_32 = arith.addi %iota3A, %add3A_31 : vector<16xi32>
      %add3A_33 = arith.constant 16 : i32
      %add3A_34 = vector.broadcast %add3A_33 : i32 to vector<16xi32>
      %add3A_35 = arith.addi %add3A_32, %add3A_34 : vector<16xi32>
      %gather3A_36 = tpu.vector_load_idx %arg9[%add3A_35] : memref<10000xi32, #tpu.memory_space<vmem>>[vector<16xi32>], vector<16xi32>,
      %swap3A_37 = arith.constant 16 : index
      %swap3A_38 = tpu.vector_load %arg10[%swap3A_37] {strides = array<i32>} : memref<80xi32, #tpu.memory_space<vmem>>, vector<16xi32>,
      tpu.vector_store %arg10[%swap3A_37], %gather3A_36 {strides = array<i32>} : memref<80xi32, #tpu.memory_space<vmem>>, vector<16xi32>,
      %mul3A_39 = arith.constant 80 : i32
      %mul3A_40 = arith.muli %add3A_14, %mul3A_39 : i32
      %add3A_41 = vector.broadcast %mul3A_40 : i32 to vector<16xi32>
      %add3A_42 = arith.addi %iota3A, %add3A_41 : vector<16xi32>
      %add3A_43 = arith.constant 32 : i32
      %add3A_44 = vector.broadcast %add3A_43 : i32 to vector<16xi32>
      %add3A_45 = arith.addi %add3A_42, %add3A_44 : vector<16xi32>
      %gather3A_46 = tpu.vector_load_idx %arg9[%add3A_45] : memref<10000xi32, #tpu.memory_space<vmem>>[vector<16xi32>], vector<16xi32>,
      %swap3A_47 = arith.constant 32 : index
      %swap3A_48 = tpu.vector_load %arg10[%swap3A_47] {strides = array<i32>} : memref<80xi32, #tpu.memory_space<vmem>>, vector<16xi32>,
      tpu.vector_store %arg10[%swap3A_47], %gather3A_46 {strides = array<i32>} : memref<80xi32, #tpu.memory_space<vmem>>, vector<16xi32>,
      %mul3A_49 = arith.constant 80 : i32
      %mul3A_50 = arith.muli %add3A_14, %mul3A_49 : i32
      %add3A_51 = vector.broadcast %mul3A_50 : i32 to vector<16xi32>
      %add3A_52 = arith.addi %iota3A, %add3A_51 : vector<16xi32>
      %add3A_53 = arith.constant 48 : i32
      %add3A_54 = vector.broadcast %add3A_53 : i32 to vector<16xi32>
      %add3A_55 = arith.addi %add3A_52, %add3A_54 : vector<16xi32>
      %gather3A_56 = tpu.vector_load_idx %arg9[%add3A_55] : memref<10000xi32, #tpu.memory_space<vmem>>[vector<16xi32>], vector<16xi32>,
      %swap3A_57 = arith.constant 48 : index
      %swap3A_58 = tpu.vector_load %arg10[%swap3A_57] {strides = array<i32>} : memref<80xi32, #tpu.memory_space<vmem>>, vector<16xi32>,
      tpu.vector_store %arg10[%swap3A_57], %gather3A_56 {strides = array<i32>} : memref<80xi32, #tpu.memory_space<vmem>>, vector<16xi32>,
      %mul3A_59 = arith.constant 80 : i32
      %mul3A_60 = arith.muli %add3A_14, %mul3A_59 : i32
      %add3A_61 = vector.broadcast %mul3A_60 : i32 to vector<16xi32>
      %add3A_62 = arith.addi %iota3A, %add3A_61 : vector<16xi32>
      %add3A_63 = arith.constant 64 : i32
      %add3A_64 = vector.broadcast %add3A_63 : i32 to vector<16xi32>
      %add3A_65 = arith.addi %add3A_62, %add3A_64 : vector<16xi32>
      %gather3A_66 = tpu.vector_load_idx %arg9[%add3A_65] : memref<10000xi32, #tpu.memory_space<vmem>>[vector<16xi32>], vector<16xi32>,
      %swap3A_67 = arith.constant 64 : index
      %swap3A_68 = tpu.vector_load %arg10[%swap3A_67] {strides = array<i32>} : memref<80xi32, #tpu.memory_space<vmem>>, vector<16xi32>,
      tpu.vector_store %arg10[%swap3A_67], %gather3A_66 {strides = array<i32>} : memref<80xi32, #tpu.memory_space<vmem>>, vector<16xi32>,
      %dma_wait3A = arith.constant 0 : i32
      %dma_wait3A_69 = tpu.memref_slice %arg2[%add3A_17, %dma_wait3A] : memref<320000x128xf32, #tpu.memory_space<hbm>> -> memref<80x128xf32, #tpu.memory_space<hbm>>
      %dma_wait3A_70 = arith.constant 0 : i32
      %dma_wait3A_71 = tpu.memref_slice %arg2[%add3A_17, %dma_wait3A_70] : memref<320000x128xf32, #tpu.memory_space<hbm>> -> memref<80x128xf32, #tpu.memory_space<hbm>>
      tpu.wait_dma2 semaphore(%arg15 : memref<!tpu.dma_semaphore, #tpu.memory_space<semaphore_mem>>) src(%dma_wait3A_71 : memref<80x128xf32, #tpu.memory_space<hbm>>) dst(%arg11 : memref<80x128xf32, #tpu.memory_space<vmem>>)
      "tpu.region"() ({
        %run_scoped3A = tpu.sem_alloc : memref<!tpu.dma_semaphore, #tpu.memory_space<semaphore_mem>>
        %dma_start3A_74 = arith.constant 0 : i32
        %dma_start3A_75 = arith.constant 0 : i32
        %dma_start3A_76 = tpu.memref_slice %arg13[%dma_start3A_74, %dma_start3A_75] : memref<10240x128xf32, #tpu.memory_space<vmem_shared>> -> memref<10240x128xf32, #tpu.memory_space<vmem_shared>>
        tpu.enqueue_indirect_dma source(%arg11 : memref<80x128xf32, #tpu.memory_space<vmem>>) target(%dma_start3A_76 : memref<10240x128xf32, #tpu.memory_space<vmem_shared>>) offsets(%arg10 : memref<80xi32, #tpu.memory_space<vmem>>) semaphore(%run_scoped3A : memref<!tpu.dma_semaphore, #tpu.memory_space<semaphore_mem>>) {add = true}
        %dma_wait3A_77 = arith.constant 0 : i32
        %dma_wait3A_78 = arith.constant 0 : i32
        %dma_wait3A_79 = tpu.memref_slice %arg13[%dma_wait3A_77, %dma_wait3A_78] : memref<10240x128xf32, #tpu.memory_space<vmem_shared>> -> memref<10240x128xf32, #tpu.memory_space<vmem_shared>>
        tpu.wait_indirect_dma semaphore(%run_scoped3A : memref<!tpu.dma_semaphore, #tpu.memory_space<semaphore_mem>>) src(%arg11 : memref<80x128xf32, #tpu.memory_space<vmem>>) dst(%dma_wait3A_79 : memref<10240x128xf32, #tpu.memory_space<vmem_shared>>)
        tpu.yield
      }) : () -> ()
      %mul3A_72 = arith.constant 80 : i32
      %mul3A_73 = arith.muli %add3A_14, %mul3A_72 : i32
      "tpu.region"() ({
        %run_scoped3A = tpu.sem_alloc : memref<!tpu.dma_semaphore, #tpu.memory_space<semaphore_mem>>
        %dma_start3A_74 = tpu.memref_slice %arg12[%mul3A_73] : memref<10000xf32, #tpu.memory_space<vmem>> -> memref<80xf32, #tpu.memory_space<vmem>>
        %dma_start3A_75 = arith.constant 0 : i32
        %dma_start3A_76 = tpu.memref_slice %arg14[%dma_start3A_75] : memref<10240xf32, #tpu.memory_space<vmem_shared>> -> memref<10240xf32, #tpu.memory_space<vmem_shared>>
        tpu.enqueue_indirect_dma source(%dma_start3A_74 : memref<80xf32, #tpu.memory_space<vmem>>) target(%dma_start3A_76 : memref<10240xf32, #tpu.memory_space<vmem_shared>>) offsets(%arg10 : memref<80xi32, #tpu.memory_space<vmem>>) semaphore(%run_scoped3A : memref<!tpu.dma_semaphore, #tpu.memory_space<semaphore_mem>>) {add = true}
        %dma_wait3A_77 = tpu.memref_slice %arg12[%mul3A_73] : memref<10000xf32, #tpu.memory_space<vmem>> -> memref<80xf32, #tpu.memory_space<vmem>>
        %dma_wait3A_78 = arith.constant 0 : i32
        %dma_wait3A_79 = tpu.memref_slice %arg14[%dma_wait3A_78] : memref<10240xf32, #tpu.memory_space<vmem_shared>> -> memref<10240xf32, #tpu.memory_space<vmem_shared>>
        tpu.wait_indirect_dma semaphore(%run_scoped3A : memref<!tpu.dma_semaphore, #tpu.memory_space<semaphore_mem>>) src(%dma_wait3A_77 : memref<80xf32, #tpu.memory_space<vmem>>) dst(%dma_wait3A_79 : memref<10240xf32, #tpu.memory_space<vmem_shared>>)
        tpu.yield
      }) : () -> ()
    }
    %scan3A_8 = arith.constant 125 : i32
    %barrier3A_9 = arith.constant 0 : index
    tpu.barrier barrier_id(%barrier3A_9)
    "tpu.region"() ({
      %run_scoped3A = tpu.sem_alloc : memref<!tpu.dma_semaphore, #tpu.memory_space<semaphore_mem>>
      %dma_start3A = arith.constant 0 : i32
      %dma_start3A_10 = tpu.memref_slice %arg7[%arg0, %mul3A_0, %dma_start3A] : memref<2x10240x128xf32, #tpu.memory_space<hbm>> -> memref<1x640x128xf32, #tpu.memory_space<hbm>>
      %dma_start3A_11 = tpu.memref_squeeze %dma_start3A_10 : memref<1x640x128xf32, #tpu.memory_space<hbm>> -> memref<640x128xf32, #tpu.memory_space<hbm>>
      %dma_start3A_12 = arith.constant 0 : i32
      %dma_start3A_13 = tpu.memref_slice %arg13[%mul3A_0, %dma_start3A_12] : memref<10240x128xf32, #tpu.memory_space<vmem_shared>> -> memref<640x128xf32, #tpu.memory_space<vmem_shared>>
      tpu.enqueue_dma source(%dma_start3A_13 : memref<640x128xf32, #tpu.memory_space<vmem_shared>>) target(%dma_start3A_11 : memref<640x128xf32, #tpu.memory_space<hbm>>) target_semaphore(%run_scoped3A : memref<!tpu.dma_semaphore, #tpu.memory_space<semaphore_mem>>)
      %dma_wait3A = arith.constant 0 : i32
      %dma_wait3A_14 = tpu.memref_slice %arg7[%arg0, %mul3A_0, %dma_wait3A] : memref<2x10240x128xf32, #tpu.memory_space<hbm>> -> memref<1x640x128xf32, #tpu.memory_space<hbm>>
      %dma_wait3A_15 = tpu.memref_squeeze %dma_wait3A_14 : memref<1x640x128xf32, #tpu.memory_space<hbm>> -> memref<640x128xf32, #tpu.memory_space<hbm>>
      %dma_wait3A_16 = arith.constant 0 : i32
      %dma_wait3A_17 = tpu.memref_slice %arg13[%mul3A_0, %dma_wait3A_16] : memref<10240x128xf32, #tpu.memory_space<vmem_shared>> -> memref<640x128xf32, #tpu.memory_space<vmem_shared>>
      tpu.wait_dma2 semaphore(%run_scoped3A : memref<!tpu.dma_semaphore, #tpu.memory_space<semaphore_mem>>) src(%dma_wait3A_17 : memref<640x128xf32, #tpu.memory_space<vmem_shared>>) dst(%dma_wait3A_15 : memref<640x128xf32, #tpu.memory_space<hbm>>)
      tpu.yield
    }) : () -> ()
    "tpu.region"() ({
      %run_scoped3A = tpu.sem_alloc : memref<!tpu.dma_semaphore, #tpu.memory_space<semaphore_mem>>
      %dma_start3A = tpu.memref_slice %arg8[%arg0, %mul3A_0] : memref<2x10240xf32, #tpu.memory_space<hbm>> -> memref<1x640xf32, #tpu.memory_space<hbm>>
      %dma_start3A_10 = tpu.memref_squeeze %dma_start3A : memref<1x640xf32, #tpu.memory_space<hbm>> -> memref<640xf32, #tpu.memory_space<hbm>>
      %dma_start3A_11 = tpu.memref_slice %arg14[%mul3A_0] : memref<10240xf32, #tpu.memory_space<vmem_shared>> -> memref<640xf32, #tpu.memory_space<vmem_shared>>
      tpu.enqueue_dma source(%dma_start3A_11 : memref<640xf32, #tpu.memory_space<vmem_shared>>) target(%dma_start3A_10 : memref<640xf32, #tpu.memory_space<hbm>>) target_semaphore(%run_scoped3A : memref<!tpu.dma_semaphore, #tpu.memory_space<semaphore_mem>>)
      %dma_wait3A = tpu.memref_slice %arg8[%arg0, %mul3A_0] : memref<2x10240xf32, #tpu.memory_space<hbm>> -> memref<1x640xf32, #tpu.memory_space<hbm>>
      %dma_wait3A_12 = tpu.memref_squeeze %dma_wait3A : memref<1x640xf32, #tpu.memory_space<hbm>> -> memref<640xf32, #tpu.memory_space<hbm>>
      %dma_wait3A_13 = tpu.memref_slice %arg14[%mul3A_0] : memref<10240xf32, #tpu.memory_space<vmem_shared>> -> memref<640xf32, #tpu.memory_space<vmem_shared>>
      tpu.wait_dma2 semaphore(%run_scoped3A : memref<!tpu.dma_semaphore, #tpu.memory_space<semaphore_mem>>) src(%dma_wait3A_13 : memref<640xf32, #tpu.memory_space<vmem_shared>>) dst(%dma_wait3A_12 : memref<640xf32, #tpu.memory_space<hbm>>)
      tpu.yield
    }) : () -> ()
    return
  }
}

#map = affine_map<(d0, d1) -> (0, 0)>
#map1 = affine_map<(d0, d1) -> (0)>
module attributes {stable_mosaic.version = 14 : i64} {
  func.func @_gather_body(%arg0: i32, %arg1: i32, %arg2: memref<10000x128xf32, #tpu.memory_space<hbm>>, %arg3: memref<320000xi32, #tpu.memory_space<hbm>>, %arg4: memref<320000xi32, #tpu.memory_space<hbm>>, %arg5: memref<320000x128xf32, #tpu.memory_space<hbm>>, %arg6: memref<320000x128xf32, #tpu.memory_space<hbm>>, %arg7: memref<10000xi32, #tpu.memory_space<vmem>>, %arg8: memref<10000xi32, #tpu.memory_space<vmem>>, %arg9: memref<400x128xf32, #tpu.memory_space<vmem>>, %arg10: memref<400x128xf32, #tpu.memory_space<vmem>>, %arg11: memref<!tpu.dma_semaphore, #tpu.memory_space<semaphore_mem>>, %arg12: memref<!tpu.dma_semaphore, #tpu.memory_space<semaphore_mem>>) attributes {dimension_semantics = [#tpu.dimension_semantics<core_parallel>, #tpu.dimension_semantics<subcore_parallel>], iteration_bounds = array<i64: 2, 16>, scalar_prefetch = 0 : i64, scratch_operands = 6 : i64, tpu.core_type = #tpu.core_type<sc_vector_subcore>, window_params = [{transform_indices = #map}, {transform_indices = #map1}, {transform_indices = #map1}, {transform_indices = #map}, {transform_indices = #map}]} {
    %mul3A = arith.constant 16 : i32
    %mul3A_0 = arith.muli %arg0, %mul3A : i32
    %add3A = arith.addi %mul3A_0, %arg1 : i32
    %mul3A_1 = arith.constant 10000 : i32
    %mul3A_2 = arith.muli %add3A, %mul3A_1 : i32
    "tpu.region"() ({
      %run_scoped3A = tpu.sem_alloc : memref<!tpu.dma_semaphore, #tpu.memory_space<semaphore_mem>>
      %dma_start3A = tpu.memref_slice %arg3[%mul3A_2] : memref<320000xi32, #tpu.memory_space<hbm>> -> memref<10000xi32, #tpu.memory_space<hbm>>
      %dma_start3A_7 = tpu.memref_slice %arg3[%mul3A_2] : memref<320000xi32, #tpu.memory_space<hbm>> -> memref<10000xi32, #tpu.memory_space<hbm>>
      tpu.enqueue_dma source(%dma_start3A_7 : memref<10000xi32, #tpu.memory_space<hbm>>) target(%arg7 : memref<10000xi32, #tpu.memory_space<vmem>>) target_semaphore(%run_scoped3A : memref<!tpu.dma_semaphore, #tpu.memory_space<semaphore_mem>>)
      %dma_wait3A = tpu.memref_slice %arg3[%mul3A_2] : memref<320000xi32, #tpu.memory_space<hbm>> -> memref<10000xi32, #tpu.memory_space<hbm>>
      %dma_wait3A_8 = tpu.memref_slice %arg3[%mul3A_2] : memref<320000xi32, #tpu.memory_space<hbm>> -> memref<10000xi32, #tpu.memory_space<hbm>>
      tpu.wait_dma2 semaphore(%run_scoped3A : memref<!tpu.dma_semaphore, #tpu.memory_space<semaphore_mem>>) src(%dma_wait3A_8 : memref<10000xi32, #tpu.memory_space<hbm>>) dst(%arg7 : memref<10000xi32, #tpu.memory_space<vmem>>)
      tpu.yield
    }) : () -> ()
    "tpu.region"() ({
      %run_scoped3A = tpu.sem_alloc : memref<!tpu.dma_semaphore, #tpu.memory_space<semaphore_mem>>
      %dma_start3A = tpu.memref_slice %arg4[%mul3A_2] : memref<320000xi32, #tpu.memory_space<hbm>> -> memref<10000xi32, #tpu.memory_space<hbm>>
      %dma_start3A_7 = tpu.memref_slice %arg4[%mul3A_2] : memref<320000xi32, #tpu.memory_space<hbm>> -> memref<10000xi32, #tpu.memory_space<hbm>>
      tpu.enqueue_dma source(%dma_start3A_7 : memref<10000xi32, #tpu.memory_space<hbm>>) target(%arg8 : memref<10000xi32, #tpu.memory_space<vmem>>) target_semaphore(%run_scoped3A : memref<!tpu.dma_semaphore, #tpu.memory_space<semaphore_mem>>)
      %dma_wait3A = tpu.memref_slice %arg4[%mul3A_2] : memref<320000xi32, #tpu.memory_space<hbm>> -> memref<10000xi32, #tpu.memory_space<hbm>>
      %dma_wait3A_8 = tpu.memref_slice %arg4[%mul3A_2] : memref<320000xi32, #tpu.memory_space<hbm>> -> memref<10000xi32, #tpu.memory_space<hbm>>
      tpu.wait_dma2 semaphore(%run_scoped3A : memref<!tpu.dma_semaphore, #tpu.memory_space<semaphore_mem>>) src(%dma_wait3A_8 : memref<10000xi32, #tpu.memory_space<hbm>>) dst(%arg8 : memref<10000xi32, #tpu.memory_space<vmem>>)
      tpu.yield
    }) : () -> ()
    %scan3A = arith.constant 0 : i32
    %scan3A_3 = arith.constant 25 : i32
    %scan3A_4 = arith.addi %scan3A, %scan3A_3 : i32
    %scan3A_5 = arith.constant 1 : i32
    scf.for %scan3A_7 = %scan3A to %scan3A_4 step %scan3A_5  : i32 {
      %mul3A_8 = arith.constant 1 : i32
      %mul3A_9 = arith.muli %scan3A_7, %mul3A_8 : i32
      %add3A_10 = arith.constant 0 : i32
      %add3A_11 = arith.addi %add3A_10, %mul3A_9 : i32
      %mul3A_12 = arith.constant 400 : i32
      %mul3A_13 = arith.muli %add3A_11, %mul3A_12 : i32
      %add3A_14 = arith.addi %mul3A_2, %mul3A_13 : i32
      %mul3A_15 = arith.constant 400 : i32
      %mul3A_16 = arith.muli %add3A_11, %mul3A_15 : i32
      %dma_start3A = tpu.memref_slice %arg7[%mul3A_16] : memref<10000xi32, #tpu.memory_space<vmem>> -> memref<400xi32, #tpu.memory_space<vmem>>
      %dma_start3A_17 = arith.constant 0 : i32
      %dma_start3A_18 = arith.constant 0 : i32
      %dma_start3A_19 = tpu.memref_slice %arg2[%dma_start3A_17, %dma_start3A_18] : memref<10000x128xf32, #tpu.memory_space<hbm>> -> memref<10000x128xf32, #tpu.memory_space<hbm>>
      tpu.enqueue_indirect_dma source(%dma_start3A_19 : memref<10000x128xf32, #tpu.memory_space<hbm>>) target(%arg9 : memref<400x128xf32, #tpu.memory_space<vmem>>) offsets(%dma_start3A : memref<400xi32, #tpu.memory_space<vmem>>) semaphore(%arg11 : memref<!tpu.dma_semaphore, #tpu.memory_space<semaphore_mem>>)
      %mul3A_20 = arith.constant 400 : i32
      %mul3A_21 = arith.muli %add3A_11, %mul3A_20 : i32
      %dma_start3A_22 = tpu.memref_slice %arg8[%mul3A_21] : memref<10000xi32, #tpu.memory_space<vmem>> -> memref<400xi32, #tpu.memory_space<vmem>>
      %dma_start3A_23 = arith.constant 0 : i32
      %dma_start3A_24 = arith.constant 0 : i32
      %dma_start3A_25 = tpu.memref_slice %arg2[%dma_start3A_23, %dma_start3A_24] : memref<10000x128xf32, #tpu.memory_space<hbm>> -> memref<10000x128xf32, #tpu.memory_space<hbm>>
      tpu.enqueue_indirect_dma source(%dma_start3A_25 : memref<10000x128xf32, #tpu.memory_space<hbm>>) target(%arg10 : memref<400x128xf32, #tpu.memory_space<vmem>>) offsets(%dma_start3A_22 : memref<400xi32, #tpu.memory_space<vmem>>) semaphore(%arg11 : memref<!tpu.dma_semaphore, #tpu.memory_space<semaphore_mem>>)
      %dma_wait3A = tpu.memref_slice %arg7[%mul3A_16] : memref<10000xi32, #tpu.memory_space<vmem>> -> memref<400xi32, #tpu.memory_space<vmem>>
      %dma_wait3A_26 = arith.constant 0 : i32
      %dma_wait3A_27 = arith.constant 0 : i32
      %dma_wait3A_28 = tpu.memref_slice %arg2[%dma_wait3A_26, %dma_wait3A_27] : memref<10000x128xf32, #tpu.memory_space<hbm>> -> memref<10000x128xf32, #tpu.memory_space<hbm>>
      tpu.wait_indirect_dma semaphore(%arg11 : memref<!tpu.dma_semaphore, #tpu.memory_space<semaphore_mem>>) src(%dma_wait3A_28 : memref<10000x128xf32, #tpu.memory_space<hbm>>) dst(%arg9 : memref<400x128xf32, #tpu.memory_space<vmem>>)
      %dma_wait3A_29 = tpu.memref_slice %arg8[%mul3A_21] : memref<10000xi32, #tpu.memory_space<vmem>> -> memref<400xi32, #tpu.memory_space<vmem>>
      %dma_wait3A_30 = arith.constant 0 : i32
      %dma_wait3A_31 = arith.constant 0 : i32
      %dma_wait3A_32 = tpu.memref_slice %arg2[%dma_wait3A_30, %dma_wait3A_31] : memref<10000x128xf32, #tpu.memory_space<hbm>> -> memref<10000x128xf32, #tpu.memory_space<hbm>>
      tpu.wait_indirect_dma semaphore(%arg11 : memref<!tpu.dma_semaphore, #tpu.memory_space<semaphore_mem>>) src(%dma_wait3A_32 : memref<10000x128xf32, #tpu.memory_space<hbm>>) dst(%arg10 : memref<400x128xf32, #tpu.memory_space<vmem>>)
      %dma_start3A_33 = arith.constant 0 : i32
      %dma_start3A_34 = tpu.memref_slice %arg5[%add3A_14, %dma_start3A_33] : memref<320000x128xf32, #tpu.memory_space<hbm>> -> memref<400x128xf32, #tpu.memory_space<hbm>>
      %dma_start3A_35 = arith.constant 0 : i32
      %dma_start3A_36 = tpu.memref_slice %arg5[%add3A_14, %dma_start3A_35] : memref<320000x128xf32, #tpu.memory_space<hbm>> -> memref<400x128xf32, #tpu.memory_space<hbm>>
      tpu.enqueue_dma source(%arg9 : memref<400x128xf32, #tpu.memory_space<vmem>>) target(%dma_start3A_36 : memref<400x128xf32, #tpu.memory_space<hbm>>) target_semaphore(%arg12 : memref<!tpu.dma_semaphore, #tpu.memory_space<semaphore_mem>>)
      %dma_start3A_37 = arith.constant 0 : i32
      %dma_start3A_38 = tpu.memref_slice %arg6[%add3A_14, %dma_start3A_37] : memref<320000x128xf32, #tpu.memory_space<hbm>> -> memref<400x128xf32, #tpu.memory_space<hbm>>
      %dma_start3A_39 = arith.constant 0 : i32
      %dma_start3A_40 = tpu.memref_slice %arg6[%add3A_14, %dma_start3A_39] : memref<320000x128xf32, #tpu.memory_space<hbm>> -> memref<400x128xf32, #tpu.memory_space<hbm>>
      tpu.enqueue_dma source(%arg10 : memref<400x128xf32, #tpu.memory_space<vmem>>) target(%dma_start3A_40 : memref<400x128xf32, #tpu.memory_space<hbm>>) target_semaphore(%arg12 : memref<!tpu.dma_semaphore, #tpu.memory_space<semaphore_mem>>)
      %dma_wait3A_41 = arith.constant 0 : i32
      %dma_wait3A_42 = tpu.memref_slice %arg5[%add3A_14, %dma_wait3A_41] : memref<320000x128xf32, #tpu.memory_space<hbm>> -> memref<400x128xf32, #tpu.memory_space<hbm>>
      %dma_wait3A_43 = arith.constant 0 : i32
      %dma_wait3A_44 = tpu.memref_slice %arg5[%add3A_14, %dma_wait3A_43] : memref<320000x128xf32, #tpu.memory_space<hbm>> -> memref<400x128xf32, #tpu.memory_space<hbm>>
      tpu.wait_dma2 semaphore(%arg12 : memref<!tpu.dma_semaphore, #tpu.memory_space<semaphore_mem>>) src(%arg9 : memref<400x128xf32, #tpu.memory_space<vmem>>) dst(%dma_wait3A_44 : memref<400x128xf32, #tpu.memory_space<hbm>>)
      %dma_wait3A_45 = arith.constant 0 : i32
      %dma_wait3A_46 = tpu.memref_slice %arg6[%add3A_14, %dma_wait3A_45] : memref<320000x128xf32, #tpu.memory_space<hbm>> -> memref<400x128xf32, #tpu.memory_space<hbm>>
      %dma_wait3A_47 = arith.constant 0 : i32
      %dma_wait3A_48 = tpu.memref_slice %arg6[%add3A_14, %dma_wait3A_47] : memref<320000x128xf32, #tpu.memory_space<hbm>> -> memref<400x128xf32, #tpu.memory_space<hbm>>
      tpu.wait_dma2 semaphore(%arg12 : memref<!tpu.dma_semaphore, #tpu.memory_space<semaphore_mem>>) src(%arg10 : memref<400x128xf32, #tpu.memory_space<vmem>>) dst(%dma_wait3A_48 : memref<400x128xf32, #tpu.memory_space<hbm>>)
    }
    %scan3A_6 = arith.constant 25 : i32
    return
  }
}

module attributes {stable_mosaic.version = 14 : i64} {
  func.func @_score_body(%arg0: i32, %arg1: memref<4096x128xf32, #tpu.memory_space<vmem>>, %arg2: memref<4096x128xf32, #tpu.memory_space<vmem>>, %arg3: memref<4096x128xf32, #tpu.memory_space<vmem>>, %arg4: memref<4096xf32, #tpu.memory_space<vmem>>) attributes {dimension_semantics = [#tpu.dimension_semantics<arbitrary>], iteration_bounds = array<i64: 79>, scalar_prefetch = 0 : i64, scratch_operands = 0 : i64, tpu.core_type = #tpu.core_type<tc>, window_params = [{transform_indices = @transform_0, window_bounds = array<i64: 4096, 128>}, {transform_indices = @transform_1, window_bounds = array<i64: 4096, 128>}, {transform_indices = @transform_2, window_bounds = array<i64: 4096, 128>}, {transform_indices = @transform_3, window_bounds = array<i64: 4096>}]} {
    %get3A = arith.constant 0 : index
    %get3A_0 = arith.constant 0 : index
    %get3A_1 = vector.load %arg1[%get3A, %get3A_0] : memref<4096x128xf32, #tpu.memory_space<vmem>>, vector<4096x128xf32>
    %get3A_2 = arith.constant 0 : index
    %get3A_3 = arith.constant 0 : index
    %get3A_4 = vector.load %arg2[%get3A_2, %get3A_3] : memref<4096x128xf32, #tpu.memory_space<vmem>>, vector<4096x128xf32>
    %mul3A = arith.mulf %get3A_1, %get3A_4 : vector<4096x128xf32>
    %broadcast_in_dim3A = arith.constant 1.000000e+00 : f32
    %broadcast_in_dim3A_5 = vector.broadcast %broadcast_in_dim3A : f32 to vector<128x1xf32>
    %dot_general3A = arith.constant dense<0.000000e+00> : vector<4096x1xf32>
    %dot_general3A_6 = tpu.matmul %mul3A, %broadcast_in_dim3A_5, %dot_general3A {dimension_numbers = #tpu.dot_dimension_numbers<[1], [0], [0], [1], [0, 0, 1, 1], [], []>, transpose_lhs_hint = false} : vector<4096x128xf32>, vector<128x1xf32>, vector<4096x1xf32> -> vector<4096x1xf32>
    %gt3A = arith.constant 0.000000e+00 : f32
    %gt3A_7 = vector.broadcast %gt3A : f32 to vector<4096x1xf32>
    %gt3A_8 = arith.cmpf ogt, %dot_general3A_6, %gt3A_7 : vector<4096x1xf32>
    %mul3A_9 = arith.constant 2.000000e-01 : f32
    %mul3A_10 = vector.broadcast %mul3A_9 : f32 to vector<4096x1xf32>
    %mul3A_11 = arith.mulf %dot_general3A_6, %mul3A_10 : vector<4096x1xf32>
    %select_n3A = arith.select %gt3A_8, %dot_general3A_6, %mul3A_11 : vector<4096x1xi1>, vector<4096x1xf32>
    %exp3A = math.exp %select_n3A : vector<4096x1xf32>
    %broadcast_in_dim3A_12 = arith.constant 1.000000e+00 : f32
    %broadcast_in_dim3A_13 = vector.broadcast %broadcast_in_dim3A_12 : f32 to vector<1x128xf32>
    %dot_general3A_14 = arith.constant dense<0.000000e+00> : vector<4096x128xf32>
    %dot_general3A_15 = tpu.matmul %exp3A, %broadcast_in_dim3A_13, %dot_general3A_14 {dimension_numbers = #tpu.dot_dimension_numbers<[1], [0], [0], [1], [0, 0, 1, 1], [], []>, transpose_lhs_hint = false} : vector<4096x1xf32>, vector<1x128xf32>, vector<4096x128xf32> -> vector<4096x128xf32>
    %mul3A_16 = arith.mulf %get3A_4, %dot_general3A_15 : vector<4096x128xf32>
    %swap3A = arith.constant 0 : index
    %swap3A_17 = arith.constant 0 : index
    %swap3A_18 = vector.load %arg3[%swap3A, %swap3A_17] : memref<4096x128xf32, #tpu.memory_space<vmem>>, vector<4096x128xf32>
    tpu.vector_store %arg3[%swap3A, %swap3A_17], %mul3A_16 {strides = array<i32>} : memref<4096x128xf32, #tpu.memory_space<vmem>>, vector<4096x128xf32>,
    %squeeze3A = vector.shape_cast %exp3A : vector<4096x1xf32> to vector<4096xf32>
    %swap3A_19 = arith.constant 0 : index
    %swap3A_20 = vector.load %arg4[%swap3A_19] : memref<4096xf32, #tpu.memory_space<vmem>>, vector<4096xf32>
    tpu.vector_store %arg4[%swap3A_19], %squeeze3A {strides = array<i32>} : memref<4096xf32, #tpu.memory_space<vmem>>, vector<4096xf32>,
    return
  }
  func.func @transform_0(%arg0: i32) -> (i32, i32) {
    %c0_i32 = arith.constant 0 : i32
    %c0_i32_0 = arith.constant 0 : i32
    return %arg0, %c0_i32 : i32, i32
  }
  func.func @transform_1(%arg0: i32) -> (i32, i32) {
    %c0_i32 = arith.constant 0 : i32
    %c0_i32_0 = arith.constant 0 : i32
    return %arg0, %c0_i32 : i32, i32
  }
  func.func @transform_2(%arg0: i32) -> (i32, i32) {
    %c0_i32 = arith.constant 0 : i32
    %c0_i32_0 = arith.constant 0 : i32
    return %arg0, %c0_i32 : i32, i32
  }
  func.func @transform_3(%arg0: i32) -> i32 {
    %c0_i32 = arith.constant 0 : i32
    return %arg0 : i32
  }
}

module attributes {stable_mosaic.version = 14 : i64} {
  func.func @_mm_body(%arg0: memref<10000x128xf32, #tpu.memory_space<vmem>>, %arg1: memref<128x128xf32, #tpu.memory_space<vmem>>, %arg2: memref<10000x128xf32, #tpu.memory_space<vmem>>) attributes {dimension_semantics = [], scalar_prefetch = 0 : i64, scratch_operands = 0 : i64, tpu.core_type = #tpu.core_type<tc>} {
    %get3A = arith.constant 0 : index
    %get3A_0 = arith.constant 0 : index
    %get3A_1 = vector.load %arg0[%get3A, %get3A_0] : memref<10000x128xf32, #tpu.memory_space<vmem>>, vector<10000x128xf32>
    %get3A_2 = arith.constant 0 : index
    %get3A_3 = arith.constant 0 : index
    %get3A_4 = vector.load %arg1[%get3A_2, %get3A_3] : memref<128x128xf32, #tpu.memory_space<vmem>>, vector<128x128xf32>
    %dot_general3A = arith.constant dense<0.000000e+00> : vector<10000x128xf32>
    %dot_general3A_5 = tpu.matmul %get3A_1, %get3A_4, %dot_general3A {dimension_numbers = #tpu.dot_dimension_numbers<[1], [0], [0], [1], [0, 0, 1, 1], [], []>, transpose_lhs_hint = false} : vector<10000x128xf32>, vector<128x128xf32>, vector<10000x128xf32> -> vector<10000x128xf32>
    %swap3A = arith.constant 0 : index
    %swap3A_6 = arith.constant 0 : index
    %swap3A_7 = vector.load %arg2[%swap3A, %swap3A_6] : memref<10000x128xf32, #tpu.memory_space<vmem>>, vector<10000x128xf32>
    tpu.vector_store %arg2[%swap3A, %swap3A_6], %dot_general3A_5 {strides = array<i32>} : memref<10000x128xf32, #tpu.memory_space<vmem>>, vector<10000x128xf32>,
    return
  }
}

module attributes {stable_mosaic.version = 14 : i64} {
  func.func @_combine_body(%arg0: memref<2x10000x128xf32, #tpu.memory_space<vmem>>, %arg1: memref<2x10000x1xf32, #tpu.memory_space<vmem>>, %arg2: memref<1x128xf32, #tpu.memory_space<vmem>>, %arg3: memref<10000x128xf32, #tpu.memory_space<vmem>>) attributes {dimension_semantics = [], scalar_prefetch = 0 : i64, scratch_operands = 0 : i64, tpu.core_type = #tpu.core_type<tc>} {
    %get3A = arith.constant 0 : index
    %get3A_0 = arith.constant 0 : index
    %get3A_1 = arith.constant 0 : index
    %get3A_2 = vector.load %arg0[%get3A, %get3A_0, %get3A_1] : memref<2x10000x128xf32, #tpu.memory_space<vmem>>, vector<1x10000x128xf32>
    %get3A_3 = vector.shape_cast %get3A_2 : vector<1x10000x128xf32> to vector<10000x128xf32>
    %get3A_4 = arith.constant 1 : index
    %get3A_5 = arith.constant 0 : index
    %get3A_6 = arith.constant 0 : index
    %get3A_7 = vector.load %arg0[%get3A_4, %get3A_5, %get3A_6] : memref<2x10000x128xf32, #tpu.memory_space<vmem>>, vector<1x10000x128xf32>
    %get3A_8 = vector.shape_cast %get3A_7 : vector<1x10000x128xf32> to vector<10000x128xf32>
    %add3A = arith.addf %get3A_3, %get3A_8 : vector<10000x128xf32>
    %get3A_9 = arith.constant 0 : index
    %get3A_10 = arith.constant 0 : index
    %get3A_11 = arith.constant 0 : index
    %get3A_12 = vector.load %arg1[%get3A_9, %get3A_10, %get3A_11] : memref<2x10000x1xf32, #tpu.memory_space<vmem>>, vector<1x10000x1xf32>
    %get3A_13 = vector.shape_cast %get3A_12 : vector<1x10000x1xf32> to vector<10000x1xf32>
    %get3A_14 = arith.constant 1 : index
    %get3A_15 = arith.constant 0 : index
    %get3A_16 = arith.constant 0 : index
    %get3A_17 = vector.load %arg1[%get3A_14, %get3A_15, %get3A_16] : memref<2x10000x1xf32, #tpu.memory_space<vmem>>, vector<1x10000x1xf32>
    %get3A_18 = vector.shape_cast %get3A_17 : vector<1x10000x1xf32> to vector<10000x1xf32>
    %add3A_19 = arith.addf %get3A_13, %get3A_18 : vector<10000x1xf32>
    %add3A_20 = arith.constant 1.000000e-10 : f32
    %add3A_21 = vector.broadcast %add3A_20 : f32 to vector<10000x1xf32>
    %add3A_22 = arith.addf %add3A_19, %add3A_21 : vector<10000x1xf32>
    %div3A = vector.broadcast %add3A_22 : vector<10000x1xf32> to vector<10000x128xf32>
    %div3A_23 = arith.divf %add3A, %div3A : vector<10000x128xf32>
    %get3A_24 = arith.constant 0 : index
    %get3A_25 = arith.constant 0 : index
    %get3A_26 = vector.load %arg2[%get3A_24, %get3A_25] : memref<1x128xf32, #tpu.memory_space<vmem>>, vector<1x128xf32>
    %add3A_27 = vector.broadcast %get3A_26 : vector<1x128xf32> to vector<10000x128xf32>
    %add3A_28 = arith.addf %div3A_23, %add3A_27 : vector<10000x128xf32>
    %swap3A = arith.constant 0 : index
    %swap3A_29 = arith.constant 0 : index
    %swap3A_30 = vector.load %arg3[%swap3A, %swap3A_29] : memref<10000x128xf32, #tpu.memory_space<vmem>>, vector<10000x128xf32>
    tpu.vector_store %arg3[%swap3A, %swap3A_29], %add3A_28 {strides = array<i32>} : memref<10000x128xf32, #tpu.memory_space<vmem>>, vector<10000x128xf32>,
    return
  }
}

</mosaic_0001>

<sc_bundles>
// kernel: kernel.10.cloned.1.call-start
scs
__scs_entry_jumppad:
0x0: {  	(pc) =	sbr.rel $0x88, $3  }
0x1: {  	(tag) =	ssettag $0x0;
	lr =	simm.s32 $0x1  }
0x2: {  	[smem:$0x3F9D] =	sst lr;
	_ =	strace $0xD0000000  }
0x3: {  	_ = 	snop  }
0x4: {  	_ = 	snop  }
0x5: {  	_ = 	snop  }
0x6: {  	_ = 	snop  }
0x7: {  	_ = 	snop  }
__scs_overlays_trampoline_lowered:
0x8: {  	[smem:$0x3FAC] =	sst s0  }
0x9: {  	[smem:$0x3FAD] =	sst s1  }
0xa: {  	[smem:$0x3FAE] =	sst s2  }
0xb: {  	[smem:$0x3FAF] =	sst s3  }
0xc: {  	[smem:$0x3FB0] =	sst s4  }
0xd: {  	[smem:$0x3FB1] =	sst s5  }
0xe: {  	[smem:$0x3FB2] =	sst s6  }
0xf: {  	[smem:$0x3FB3] =	sst s7  }
0x10: {  	[smem:$0x3FB4] =	sst s8  }
0x11: {  	[smem:$0x3FB5] =	sst s9;
	s0 =	simm.s32 @!p0 $0x0  }
0x12: {  	s1 =	sld [smem:$0x3F9B];
	s0 =	simm.s32 @p0 $0x1  }
0x13: {  	[smem:$0x3FB6] =	sst s0;
	s0 =	simm.s32 @!p1 $0x0  }
0x14: {  	s2 =	sld [smem:$0x3F9A];
	s0 =	simm.s32 @p1 $0x1  }
0x15: {  	[smem:$0x3FB7] =	sst s0;
	s0 =	simm.s32 @!p2 $0x0  }
0x16: {  	s3 =	sld [smem:$0x3FDB];
	s0 =	simm.s32 @p2 $0x1  }
0x17: {  	s4 =	simm.s32 $0x1BF5;
	[smem:$0x3FB9] =	sst s0  }
0x18: {  	s0 =	sld [smem:$0x3F9C];
	_ =	swait.ge [sflag:s4], $0x0  }
0x19: {  	s7 =	sld [smem:$0x3F9D]  }
0x1a: {  	s8 =	sadd.s32 $0xFFFFE003, lr  }
0x1b: {  	s9 =	sadd.s32 $0xFFFFFEF7, lr;
	s5 =	simm.s32 $0xFFFFFFFF;
	p2 =	slt.u32 s8, $0xFFFFF086  }
0x1c: {  	p1 =	slt.u32 s9, $0xF7A;
	s5 =	simm.s32 @!p2 $0x0  }
0x1d: {  	s5 =	simm.s32 @p1 $0x1;
	p0 =	seq.s32 s7, s2  }
0x1e: {  	s7 =	smul.u32 @!p0 $0xF7A, s2;
	p2 =	seq.s32 @!p0 s5, $0x0  }
0x1f: {  	s9 =	smul.u32 $0xF7A, s1;
	s8 =	simm.s32 @!p0 $0x1BF5;
	p2 =	por !p2, p0  }
0x20: {  	[sflag:s8] =	ssyncset.s32 @!p0 $0xFFFFF086;
	s6 =	sadd.s32 @!p0 s3, s7;
	s7 =	simm.s32 @!p0 $0x108  }
0x21: {  	s3 =	sadd.s32 s3, s9;
	s6 =	sadd.s32 @!p0 $0x88, s6;
	s7 =	simm.s32 @p2 $0x1082  }
0x22: {  	[simem:s7], [sflag:s8] =	dma.local @!p0 [hbm:s6], $0xF7A  }
0x23: {  	s9 =	sor.u32 $0xD0000000, s2;
	s6 =	simm.s32 $0x108;
	_ =	swait.ge @!p0 [sflag:s8], $0x0  }
0x24: {  	s3 =	sadd.s32 $0x88, s3;
	s6 =	simm.s32 @!p1 $0x1082;
	[sflag:s4] =	ssyncset.s32 $0xFFFFF086  }
0x25: {  	[simem:s6], [sflag:s4] =	dma.local [hbm:s3], $0xF7A  }
0x26: {  	[smem:$0x3F9D] =	sst s1;
	(tag) =	ssettag s2;
	_ =	strace s9  }
0x27: {  	s1 =	sld [smem:$0x3FAD]  }
0x28: {  	s2 =	sld [smem:$0x3FAE]  }
0x29: {  	s4 =	sld [smem:$0x3FB0]  }
0x2a: {  	p0 =	seq.s32 s5, $0x0;
	s5 =	sld [smem:$0x3FB1]  }
0x2b: {  	s6 =	sld [smem:$0x3FB2]  }
0x2c: {  	s7 =	sld [smem:$0x3FB3]  }
0x2d: {  	s3 =	simm.s32 $0x108;
	s8 =	sld [smem:$0x3FB4]  }
0x2e: {  	s3 =	simm.s32 @!p0 $0x1082;
	s9 =	sld [smem:$0x3FB5]  }
0x2f: {  	lr =	sadd.s32 s0, s3;
	s0 =	sld [smem:$0x3FAC]  }
0x30: {  	s3 =	sld [smem:$0x3FAF]  }
0x31: {  	[smem:$0x3FB8] =	sst s10  }
0x32: {  	s10 =	sld [smem:$0x3FB6];
	_ =	sdelay $0x3  }
0x33: {  	p0 =	seq.s32 s10, $0x1;
	s10 =	sld [smem:$0x3FB8];
	_ =	sdelay $0x3  }
0x34: {  	[smem:$0x3FB8] =	sst s10  }
0x35: {  	s10 =	sld [smem:$0x3FB7];
	_ =	sdelay $0x3  }
0x36: {  	p1 =	seq.s32 s10, $0x1;
	s10 =	sld [smem:$0x3FB8];
	_ =	sdelay $0x3  }
0x37: {  	[smem:$0x3FB8] =	sst s10  }
0x38: {  	s10 =	sld [smem:$0x3FB9]  }
0x39: {  	_ = 	snop;
	(pc) =	sbr.ind lr, $3  }
0x3a: {  	_ = 	snop  }
0x3b: {  	_ = 	snop  }
0x3c: {  	p2 =	seq.s32 s10, $0x1;
	s10 =	sld [smem:$0x3FB8]  }
0x3d: {  	_ =	shalt  }
0x3e: {  	_ =	shalt  }
0x3f: {  	_ =	shalt  }
0x40: {  	_ =	shalt  }
0x41: {  	_ =	shalt  }
0x42: {  	_ =	shalt  }
0x43: {  	_ =	shalt  }
0x44: {  	_ =	shalt  }
0x45: {  	_ =	shalt  }
0x46: {  	_ =	shalt  }
0x47: {  	_ =	shalt  }
0x48: {  	_ =	shalt  }
0x49: {  	_ =	shalt  }
0x4a: {  	_ =	shalt  }
0x4b: {  	_ =	shalt  }
0x4c: {  	_ =	shalt  }
0x4d: {  	_ =	shalt  }
0x4e: {  	_ =	shalt  }
0x4f: {  	_ =	shalt  }
0x50: {  	_ =	shalt  }
0x51: {  	_ =	shalt  }
0x52: {  	_ =	shalt  }
0x53: {  	_ =	shalt  }
0x54: {  	_ =	shalt  }
0x55: {  	_ =	shalt  }
0x56: {  	_ =	shalt  }
0x57: {  	_ =	shalt  }
0x58: {  	_ =	shalt  }
0x59: {  	_ =	shalt  }
0x5a: {  	_ =	shalt  }
0x5b: {  	_ =	shalt  }
0x5c: {  	_ =	shalt  }
0x5d: {  	_ =	shalt  }
0x5e: {  	_ =	shalt  }
0x5f: {  	_ =	shalt  }
0x60: {  	_ =	shalt  }
0x61: {  	_ =	shalt  }
0x62: {  	_ =	shalt  }
0x63: {  	_ =	shalt  }
0x64: {  	_ =	shalt  }
0x65: {  	_ =	shalt  }
0x66: {  	_ =	shalt  }
0x67: {  	_ =	shalt  }
0x68: {  	_ =	shalt  }
0x69: {  	_ =	shalt  }
0x6a: {  	_ =	shalt  }
0x6b: {  	_ =	shalt  }
0x6c: {  	_ =	shalt  }
0x6d: {  	_ =	shalt  }
0x6e: {  	_ =	shalt  }
0x6f: {  	_ =	shalt  }
0x70: {  	_ =	shalt  }
0x71: {  	_ =	shalt  }
0x72: {  	_ =	shalt  }
0x73: {  	_ =	shalt  }
0x74: {  	_ =	shalt  }
0x75: {  	_ =	shalt  }
0x76: {  	_ =	shalt  }
0x77: {  	_ =	shalt  }
0x78: {  	_ =	shalt  }
0x79: {  	_ =	shalt  }
0x7a: {  	_ =	shalt  }
0x7b: {  	_ =	shalt  }
0x7c: {  	_ =	shalt  }
0x7d: {  	_ =	shalt  }
0x7e: {  	_ =	shalt  }
0x7f: {  	_ =	shalt  }
0x80: {  	_ =	shalt  }
0x81: {  	_ =	shalt  }
0x82: {  	_ =	shalt  }
0x83: {  	_ =	shalt  }
0x84: {  	_ =	shalt  }
0x85: {  	_ =	shalt  }
0x86: {  	_ =	shalt  }
0x87: {  	_ =	shalt  }
.Lfunc_end0:
.L_simem_size_0:
called_computation.1_lowered:
.L_overlay_start_0:
0x88: {  	s2 =	sld [smem:$0x3FD9]  }
0x89: {  	s3 =	sld [smem:$0x3FFE];
	_ =	sdelay $0x1  }
0x8a: {  	s1 =	srdreg.scid  }
0x8b: {  	s0 =	sand.u32 $0x1, s1  }
0x8c: {  	s17 =	sshll.u32 s0, $0xA;
	s2 =	sadd.s32 s3, s2  }
0x8d: {  	s2 =	sadd.s32 s2, s17  }
0x8e: {  	[smem:$0x3FC4] =	sst s2  }
0x8f: {  	_ = 	snop  }
0x90: {  	s2 =	sld [smem:$0x3FD0];
	(tm) =	ssettm $0x1  }
0x91: {  	s18 =	sld [smem:$0x3FFB];
	_ =	sdelay $0x3  }
0x92: {  	_ =	strace s18  }
0x93: {  	s3 =	sld [smem:$0x3FFC];
	_ =	sdelay $0x3  }
0x94: {  	_ =	strace s3  }
0x95: {  	s3 =	sld [smem:$0x3FFD];
	_ =	sdelay $0x3  }
0x96: {  	_ =	strace s3  }
0x97: {  	_ =	strace $0x8FFFFFFF  }
0x98: {  	s19 =	sld [smem:$0x3FDB];
	_ =	sdelay $0x1  }
0x99: {  	s4 =	simm.s32 $_scs_section_size  }
0x9a: {  	s5 =	simm.s32 $_size__tile_overlayer_lowered;
	s6 =	simm.s32 $_tile_overlayer_lowered  }
0x9b: {  	s22 =	simm.s32 $0x1BFF;
	s21 =	sshll.u32 s6, $0x1;
	s3 =	sadd.s32 s4, s19  }
0x9c: {  	s7 =	simm.s32 $0x0;
	s20 =	sshll.u32 s5, $0x1;
	s5 =	sadd.s32 s21, s3  }
0x9d: {  	[timem:s7], [sflag:s22] =	dma.local [hbm:s5], s20  }
0x9e: {  	_ =	swait.ge [sflag:s22], s20  }
0x9f: {  	s4 =	ssub.s32 $0x0, s20;
	[sflag:s22] =	ssyncset.done $0x0  }
0xa0: {  	[sflag:s22] =	ssyncadd.s32 s4;
	_ =	sdelay $0x1  }
0xa1: {  	s23 =	simm.s32 $0x1B8B  }
0xa2: {  	_ =	swait.ge [sflag:s23], $0x1  }
0xa3: {  	[sflag:s23] =	ssyncset.done $0x0  }
0xa4: {  	s25 =	simm.s32 $0x1B8E;
	s24 =	sld [smem:$0x3FFE];
	[sflag:s23] =	ssyncadd.s32 $0xFFFFFFFF  }
0xa5: {  	s26 =	simm.s32 $execute0_lowered;
	[smem:$0x3FD2] =	sst s25  }
0xa6: {  	s5 =	sshll.u32 s26, $0x1;
	_ =	strace $0x80000049;
	[dreg:$0x1] =	wrdreg $0xFFFFFFFF  }
0xa7: {  	s28 =	simm.s32 $_size_execute0_lowered;
	s3 =	sadd.s32 s3, s5;
	[dreg:$0x0] =	wrdreg $0x0  }
0xa8: {  	s5 =	sshll.u32 s28, $0x1;
	[dreg:$0x2] =	wrdreg s3  }
0xa9: {  	[dreg:$0x3] =	wrdreg s5  }
0xaa: {  	[dreg:$0x4] =	wrdreg $0xC0  }
0xab: {  	_ =	task [dreg:s7], $0x5FFFF  }
0xac: {  	[dreg:$0x1] =	wrdreg $0xFFFFFFFF  }
0xad: {  	[dreg:$0x0] =	wrdreg $0x60  }
0xae: {  	[dreg:$0x2] =	wrdreg s24  }
0xaf: {  	[dreg:$0x3] =	wrdreg s2  }
0xb0: {  	[dreg:$0x4] =	wrdreg $0x77800  }
0xb1: {  	[dreg:$0x5] =	wrdreg $0x1B7800  }
0xb2: {  	[dreg:$0x6] =	wrdreg $0x9  }
0xb3: {  	_ =	task.clear_ibuf [dreg:s7], $0x7FFFF;
	_ =	strace $0x90000049  }
0xb4: {  	s29 =	simm.s32 $0x9;
	_ =	strace $0x8000004B  }
0xb5: {  	_ =	swait.ge [sflag:s29], $0x1  }
0xb6: {  	[sflag:s29] =	ssyncadd.s32 $0xFFFFFFFF  }
0xb7: {  	_ =	strace $0x9000004B  }
0xb8: {  	_ =	sfence  }
0xb9: {  	s30 =	sld [smem:$0x0];
	_ =	sdelay $0x2  }
0xba: {  	s31 =	sshll.u32 s1, $0xD;
	s1 =	sshrl.u32 s1, $0x2  }
0xbb: {  	s3 =	sand.u32 $0x4000, s31;
	s1 =	sadd.s32 s1, s30  }
0xbc: {  	s0 =	sor.u32 s3, s0;
	s1 =	sshll.u32 s1, $0x11  }
0xbd: {  	s0 =	sor.u32 s1, s0  }
0xbe: {  	s0 =	sadd.s32 $0x8F2B, s0  }
0xbf: {  	[sflag:s0] =	ssyncadd.remote.s32 $0x1  }
0xc0: {  	_ =	sfence.sel $0xFFFF  }
0xc1: {  	[dreg:$0x0] =	wrdreg $0xFFFFFFFF;
	(pc) =	sbr.abs _section_cstart, $3  }
0xc2: {  	[dreg:$0x1] =	wrdreg $0xFFFFFFFF  }
0xc3: {  	_ =	task.clear_ibuf [dreg:s7], $0x2FFFF;
	_ =	strace $0x9FFFFFFF  }
0xc4: {  	(tm) =	ssettm $0x7FFFFFFF  }
0xc5: {  	_ =	shalt  }
tec
execute0_lowered:
.L_overlay_start_1:
0x0: {  	(tag) =	ssettag $0x1  }
0x1: {  	s5 =	rddreg [dreg:$0x0];
	s0 =	srdreg.scid  }
0x2: {  	s9 =	rddreg [dreg:$0x1];
	s6 =	sand.u32 $0x1, s0  }
0x3: {  	s0 =	stileid.u32;
	s7 =	smul.u32 $0x271000, s6  }
0x4: {  	s2 =	rddreg [dreg:$0x2];
	s10 =	smul.u32 $0x14000, s0  }
0x5: {  	s3 =	rddreg [dreg:$0x3];
	s4 =	simm.s32 $0x0;
	s11 =	smul.u32 $0x280, s0  }
0x6: {  	s20 =	simm.s32 $0x2780;
	s21 =	simm.s32 $0x20;
	s13 =	smul.u32 $0x140000, s6  }
0x7: {  	s22 =	simm.s32 $0x10;
	[smem:$0x7FF] =	sst s4;
	s26 =	smul.u32 $0x500, s0  }
0x8: {  	s1 =	sshll.u32 s6, $0x4;
	s16 =	sshll.u32 s6, $0x7;
	s28 =	smul.u32 $0x50000, s0  }
0x9: {  	s6 =	ssub.s32 $0x2, s6;
	s30 =	sshll.u32 s0, $0x6;
	s19 =	smul.u32 $0x27100, s0  }
0xa: {  	s8 =	sor.u32 s0, s1;
	s1 =	rddreg [dreg:$0x4];
	_ =	strace $0x8000004A  }
0xb: {  	s17 =	sshrl.u32 s6, $0x1;
	s8 =	smul.u32 $0x2710, s8;
	s23 =	sshrl.u32 s10, $0x3  }
0xc: {  	s14 =	sadd.s32 s7, s5;
	s25 =	sshrl.u32 s11, $0x3;
	s10 =	sadd.s32 s10, s13  }
0xd: {  	s13 =	sor.u32 s16, s26;
	s17 =	ssub.s32 s6, s17;
	s29 =	sshrl.u32 s28, $0x2  }
0xe: {  	s6 =	sor.u32 $0x1C02, s30;
	s18 =	sadd.s32 s11, s3;
	s24 =	sadd.s32 s23, s5  }
0xf: {  	s10 =	sshrl.u32 s10, $0x3;
	s13 =	sshrl.u32 s13, $0x3;
	s16 =	sadd.s32 s29, s2  }
0x10: {  	s31 =	sadd.s32 s19, s14;
	s19 =	simm.s32 $0x50;
	s23 =	simm.s32 $0x0  }
0x11: {  	s12 =	sshrl.u32 s8, $0x3;
	s8 =	sadd.s32 s25, s5;
	s10 =	sadd.s32 s10, s5  }
0x12: {  	s13 =	sadd.s32 s13, s5;
	s14 =	sshrl.u32 s16, $0x3;
	s16 =	sshrl.u32 s18, $0x3  }
0x13: {  	s18 =	simm.s32 $0x1;
	s15 =	sadd.s32 s12, s5;
	s5 =	sadd.s32 $0x15200, s24  }
0x14: {  	v0 =	vlaneseq.u32;
	s7 =	sadd.s32 $0x1600, s8;
	s9 =	sadd.s32 s9, s12;
	s10 =	sadd.s32 $0x3D200, s10  }
0x15: {  	v1 =	vor.u32 $0x10, v0;
	s11 =	sadd.s32 $0x1C00, s13;
	s12 =	smax.u32 s17, $0x1;
	s13 =	sadd.s32 $0x9D9200, s31  }
0x16: {  	v2 =	vor.u32 $0x20, v0;
	v3 =	vor.u32 $0x30, v0;
	v4 =	vor.u32 $0x40, v0;
	s17 =	simm.s32 $0x2800;
	s8 =	sadd.s32 $0xB400, s15;
	s15 =	simm.s32 $0x2  }
.LBB2_1:
0x17: {  	[spmem:s14], [sflag:s6] =	dma.local [hbm:s5], $0x2800  }
0x18: {  	_ =	swait.ge [sflag:s15], $0x2800  }
0x19: {  	[sflag:s15] =	ssyncset.done $0x0  }
0x1a: {  	[sflag:s15] =	ssyncadd.s32 $0xFFFFD800  }
0x1b: {  	[spmem:s16], [sflag:s6] =	dma.local [hbm:s7], $0x50  }
0x1c: {  	_ =	swait.ge [sflag:s15], $0x50  }
0x1d: {  	[sflag:s15] =	ssyncset.done $0x0  }
0x1e: {  	[sflag:s15] =	ssyncadd.s32 $0xFFFFFFB0  }
0x1f: {  	[bflag:$0x0] =	sbarrier.arrive $0xFFFF  }
0x20: {  	[tilespmem:s4], [sflag:$0x2] =	stream.linear.gather [hbm4b:s8+s4], $0x2710, $0x38;
	[tilespmem:$0x1BA00] =	vst v63  }
0x21: {  	_ =	swait.ge [sflag:s15], $0x2710  }
0x22: {  	[sflag:s15] =	ssyncset.done $0x0  }
0x23: {  	s24 =	simm.s32 $0x5000;
	[sflag:s15] =	ssyncadd.s32 $0xFFFFD8F0  }
0x24: {  	v5 =	vor.u32 s4, v0;
	[tilespmem:s24], [sflag:$0x2] =	stream.linear.gather [hbm4b:s9+s4], $0x2710, $0x38;
	[tilespmem:$0x1BA00] =	vst v63  }
0x25: {  	_ =	swait.ge [sflag:s15], $0x2710  }
0x26: {  	[sflag:s15] =	ssyncset.done $0x0  }
0x27: {  	[sflag:s15] =	ssyncadd.s32 $0xFFFFD8F0  }
0x28: {  	[tilespmem:s17], [sflag:$0x1] =	stream.linear.gather [hbm4b:s13+s4], $0x2800, $0x38;
	[tilespmem:$0x1BA00] =	vst v63  }
0x29: {  	v5 =	vld.idx.msk [tilespmem:v5+s4+$0x0], $0xffff  }
0x2a: {  	v6 =	vadd.s32 s4, v1;
	_ =	sdelay $0x3  }
0x2b: {  	[tilespmem:$0x2780] =	vst v5  }
0x2c: {  	v5 =	vld.idx.msk [tilespmem:v6+s4+$0x0], $0xffff  }
0x2d: {  	v6 =	vadd.s32 s4, v2;
	_ =	sdelay $0x3  }
0x2e: {  	[tilespmem:$0x2790] =	vst v5  }
0x2f: {  	v5 =	vld.idx.msk [tilespmem:v6+s4+$0x0], $0xffff  }
0x30: {  	v6 =	vadd.s32 s4, v3;
	_ =	sdelay $0x3  }
0x31: {  	[tilespmem:$0x27A0] =	vst v5  }
0x32: {  	v5 =	vld.idx.msk [tilespmem:v6+s4+$0x0], $0xffff  }
0x33: {  	v6 =	vadd.s32 s4, v4;
	_ =	sdelay $0x3  }
0x34: {  	[tilespmem:$0x27B0] =	vst v5  }
0x35: {  	v5 =	vld.idx.msk [tilespmem:v6+s4+$0x0], $0xffff;
	_ =	sdelay $0x4  }
0x36: {  	[tilespmem:$0x27C0] =	vst v5  }
0x37: {  	_ =	swait.ge [sflag:s18], $0x2800  }
0x38: {  	[sflag:s18] =	ssyncset.done $0x0  }
0x39: {  	[sflag:s18] =	ssyncadd.s32 $0xFFFFD800  }
0x3a: {  	[spmem:s2] =	stream.indirect.scatter.add.f32 [tilespmem:s17], [sflag:$0x2], $0x80, s20, s19, $0xb8;
	[tilespmem:$0x1BA00] =	vst v63  }
0x3b: {  	_ =	swait.ge [sflag:s15], $0x2800  }
0x3c: {  	[sflag:s15] =	ssyncset.done $0x0  }
0x3d: {  	s25 =	simm.s32 $0x50;
	[sflag:s15] =	ssyncadd.s32 $0xFFFFD800  }
0x3e: {  	[spmem:s3] =	stream.indirect.scatter.add.f32 [tilespmem:s24], [sflag:$0x2], $0x1, s20, s19, $0xb8;
	[tilespmem:$0x1BA00] =	vst v63  }
0x3f: {  	v5 =	vor.u32 s25, v0;
	_ =	swait.ge [sflag:s15], $0x50  }
0x40: {  	s29 =	simm.s32 $0xA0;
	s26 =	sadd.s32 $0x500, s13;
	[sflag:s15] =	ssyncset.done $0x0  }
.LBB2_2:
0x41: {  	[sflag:s15] =	ssyncadd.s32 $0xFFFFFFB0  }
0x42: {  	s24 =	sadd.s32 $0x50, s24;
	s30 =	smov.u32 s29;
	s28 =	sadd.s32 $0x50, s29  }
0x43: {  	[tilespmem:s17], [sflag:$0x1] =	stream.linear.gather [hbm4b:s26+s4], $0x2800, $0x38;
	[tilespmem:$0x1BA00] =	vst v63  }
0x44: {  	p0 =	sne.s32 s29, $0x26C0;
	v5 =	vld.idx.msk [tilespmem:v5+s4+$0x0], $0xffff;
	_ =	sdelay $0x1  }
0x45: {  	v6 =	vadd.s32 s25, v1;
	_ =	sdelay $0x3  }
0x46: {  	[tilespmem:$0x2780] =	vst v5  }
0x47: {  	v5 =	vld.idx.msk [tilespmem:v6+s4+$0x0], $0xffff;
	_ =	sdelay $0x1  }
0x48: {  	v6 =	vadd.s32 s25, v2;
	_ =	sdelay $0x3  }
0x49: {  	[tilespmem:$0x2790] =	vst v5  }
0x4a: {  	v5 =	vld.idx.msk [tilespmem:v6+s4+$0x0], $0xffff;
	_ =	sdelay $0x1  }
0x4b: {  	v6 =	vadd.s32 s25, v3;
	_ =	sdelay $0x3  }
0x4c: {  	[tilespmem:$0x27A0] =	vst v5  }
0x4d: {  	v5 =	vld.idx.msk [tilespmem:v6+s4+$0x0], $0xffff;
	_ =	sdelay $0x1  }
0x4e: {  	v6 =	vadd.s32 s25, v4;
	s25 =	smov.u32 s30;
	_ =	sdelay $0x3  }
0x4f: {  	[tilespmem:$0x27B0] =	vst v5  }
0x50: {  	v5 =	vld.idx.msk [tilespmem:v6+s4+$0x0], $0xffff;
	_ =	sdelay $0x5  }
0x51: {  	[tilespmem:$0x27C0] =	vst v5  }
0x52: {  	_ =	swait.ge [sflag:s18], $0x2800  }
0x53: {  	[sflag:s18] =	ssyncset.done $0x0  }
0x54: {  	[sflag:s18] =	ssyncadd.s32 $0xFFFFD800  }
0x55: {  	[spmem:s2] =	stream.indirect.scatter.add.f32 [tilespmem:s17], [sflag:$0x2], $0x80, s20, s19, $0xb8;
	[tilespmem:$0x1BA00] =	vst v63  }
0x56: {  	_ =	swait.ge [sflag:s15], $0x2800  }
.Ltmp0:
0x57: {  	[sflag:s15] =	ssyncset.done $0x0;
	(pc) =	sbr.rel @p0 .LBB2_2-.Ltmp0, $4  }
0x58: {  	[sflag:s15] =	ssyncadd.s32 $0xFFFFD800  }
0x59: {  	v5 =	vor.u32 s25, v0;
	[spmem:s3] =	stream.indirect.scatter.add.f32 [tilespmem:s24], [sflag:$0x2], $0x1, s20, s19, $0xb8;
	[tilespmem:$0x1BA00] =	vst v63  }
0x5a: {  	_ =	swait.ge [sflag:s15], $0x50  }
0x5b: {  	s26 =	sadd.s32 $0x500, s26;
	s29 =	smov.u32 s28;
	[sflag:s15] =	ssyncset.done $0x0  }
0x5c: {  	_ =	sdelay $0x1  }
0x5d: {  	[sflag:s15] =	ssyncadd.s32 $0xFFFFFFB0  }
0x5e: {  	[tilespmem:s17], [sflag:$0x1] =	stream.linear.gather [hbm4b:s26+s4], $0x2800, $0x38;
	[tilespmem:$0x1BA00] =	vst v63  }
0x5f: {  	v5 =	vld.idx.msk [tilespmem:v5+s4+$0x0], $0xffff  }
0x60: {  	v6 =	vadd.s32 s25, v1;
	_ =	sdelay $0x3  }
0x61: {  	[tilespmem:$0x2780] =	vst v5  }
0x62: {  	v5 =	vld.idx.msk [tilespmem:v6+s4+$0x0], $0xffff  }
0x63: {  	v6 =	vadd.s32 s25, v2;
	_ =	sdelay $0x3  }
0x64: {  	[tilespmem:$0x2790] =	vst v5  }
0x65: {  	v5 =	vld.idx.msk [tilespmem:v6+s4+$0x0], $0xffff  }
0x66: {  	v6 =	vadd.s32 s25, v3;
	_ =	sdelay $0x3  }
0x67: {  	[tilespmem:$0x27A0] =	vst v5  }
0x68: {  	v5 =	vld.idx.msk [tilespmem:v6+s4+$0x0], $0xffff  }
0x69: {  	v6 =	vadd.s32 s25, v4;
	_ =	sdelay $0x3  }
0x6a: {  	[tilespmem:$0x27B0] =	vst v5  }
0x6b: {  	v5 =	vld.idx.msk [tilespmem:v6+s4+$0x0], $0xffff;
	_ =	sdelay $0x4  }
0x6c: {  	[tilespmem:$0x27C0] =	vst v5  }
0x6d: {  	_ =	swait.ge [sflag:s18], $0x2800  }
0x6e: {  	[sflag:s18] =	ssyncset.done $0x0  }
0x6f: {  	[sflag:s18] =	ssyncadd.s32 $0xFFFFD800  }
0x70: {  	[spmem:s2] =	stream.indirect.scatter.add.f32 [tilespmem:s17], [sflag:$0x2], $0x80, s20, s19, $0xb8;
	[tilespmem:$0x1BA00] =	vst v63  }
0x71: {  	_ =	swait.ge [sflag:s15], $0x2800  }
0x72: {  	[sflag:s15] =	ssyncset.done $0x0  }
0x73: {  	s24 =	sadd.s32 $0x50, s24;
	[sflag:s15] =	ssyncadd.s32 $0xFFFFD800  }
0x74: {  	[spmem:s3] =	stream.indirect.scatter.add.f32 [tilespmem:s24], [sflag:$0x2], $0x1, s20, s19, $0xb8;
	[tilespmem:$0x1BA00] =	vst v63  }
0x75: {  	_ =	swait.ge [sflag:s15], $0x50  }
0x76: {  	[sflag:s15] =	ssyncset.done $0x0  }
0x77: {  	[sflag:s15] =	ssyncadd.s32 $0xFFFFFFB0  }
0x78: {  	[bflag:$0x0] =	sbarrier.arrive $0xFFFF  }
0x79: {  	[hbm:s10], [sflag:s6] =	dma.local [spmem:s14], $0x2800  }
0x7a: {  	s23 =	sadd.s32 $0x1, s23;
	_ =	swait.ge [sflag:s15], $0x2800  }
0x7b: {  	p0 =	sne.s32 s23, s12;
	[sflag:s15] =	ssyncset.done $0x0  }
.Ltmp1:
0x7c: {  	[sflag:s15] =	ssyncadd.s32 $0xFFFFD800;
	(pc) =	sbr.rel @p0 .LBB2_1-.Ltmp1, $4  }
0x7d: {  	[hbm:s11@s21], [sflag:s6] =	dma.strided [spmem:s16@s22], $0x50, s18, $0x10   }
0x7e: {  	_ =	swait.ge [sflag:s15], $0x50  }
0x7f: {  	[sflag:s15] =	ssyncset.done $0x0  }
0x80: {  	[sflag:s15] =	ssyncadd.s32 $0xFFFFFFB0  }
0x81: {  	_ =	sfence.sel $0x180000  }
0x82: {  	[bflag:$0x0] =	sbarrier.arrive $0xFFFF  }
0x83: {  	p0 =	sne.s32 s0, $0x0;
	_ =	strace $0x9000004A  }
0x84: {  	s0 =	sadd.s32 @!p0 $0x100000, s1;
	[bflag:$0x2] =	sbarrier.arrive $0xFFFF  }
0x85: {  	[sflag:s0] =	ssyncadd.tile.s32 @!p0 $0x1;
	_ =	shalt  }
.Lfunc_end2:
_tile_overlayer_lowered:
.L_overlay_start_2:
0x86: {  	(tag) =	ssettag $0x2  }
0x87: {  	s0 =	rddreg [dreg:$0x0];
	s2 =	stileid.u32  }
0x88: {  	s1 =	rddreg [dreg:$0x1];
	p0 =	sne.s32 s2, $0x0  }
0x89: {  	s3 =	rddreg [dreg:$0x2];
	[bflag:$0x3] =	sbarrier.arrive $0xFFFF;
	s2 =	simm.s32 @!p0 $0x1C02  }
0x8a: {  	[timem:s3], [sflag:s2] =	dma.local @!p0 [hbm:s0], s1  }
0x8b: {  	s0 =	simm.s32 @!p0 $0x2  }
0x8c: {  	_ =	swait.ge @!p0 [sflag:s0], s1  }
0x8d: {  	s1 =	ssub.s32 @!p0 $0x0, s1;
	[sflag:s0] =	ssyncset.done @!p0 $0x0  }
0x8e: {  	[sflag:s0] =	ssyncadd.s32 @!p0 s1  }
0x8f: {  	[bflag:$0x3] =	sbarrier.arrive $0xFFFF  }
0x90: {  	_ =	shalt  }

// kernel: kernel.7.cloned.1.call-start
scs
__scs_entry_jumppad:
0x0: {  	(pc) =	sbr.rel $0x88, $3  }
0x1: {  	(tag) =	ssettag $0x0;
	lr =	simm.s32 $0x1  }
0x2: {  	[smem:$0x3F9D] =	sst lr;
	_ =	strace $0xD0000000  }
0x3: {  	_ = 	snop  }
0x4: {  	_ = 	snop  }
0x5: {  	_ = 	snop  }
0x6: {  	_ = 	snop  }
0x7: {  	_ = 	snop  }
__scs_overlays_trampoline_lowered:
0x8: {  	[smem:$0x3FAC] =	sst s0  }
0x9: {  	[smem:$0x3FAD] =	sst s1  }
0xa: {  	[smem:$0x3FAE] =	sst s2  }
0xb: {  	[smem:$0x3FAF] =	sst s3  }
0xc: {  	[smem:$0x3FB0] =	sst s4  }
0xd: {  	[smem:$0x3FB1] =	sst s5  }
0xe: {  	[smem:$0x3FB2] =	sst s6  }
0xf: {  	[smem:$0x3FB3] =	sst s7  }
0x10: {  	[smem:$0x3FB4] =	sst s8  }
0x11: {  	[smem:$0x3FB5] =	sst s9;
	s0 =	simm.s32 @!p0 $0x0  }
0x12: {  	s1 =	sld [smem:$0x3F9B];
	s0 =	simm.s32 @p0 $0x1  }
0x13: {  	[smem:$0x3FB6] =	sst s0;
	s0 =	simm.s32 @!p1 $0x0  }
0x14: {  	s2 =	sld [smem:$0x3F9A];
	s0 =	simm.s32 @p1 $0x1  }
0x15: {  	[smem:$0x3FB7] =	sst s0;
	s0 =	simm.s32 @!p2 $0x0  }
0x16: {  	s3 =	sld [smem:$0x3FDB];
	s0 =	simm.s32 @p2 $0x1  }
0x17: {  	s4 =	simm.s32 $0x1BF5;
	[smem:$0x3FB9] =	sst s0  }
0x18: {  	s0 =	sld [smem:$0x3F9C];
	_ =	swait.ge [sflag:s4], $0x0  }
0x19: {  	s7 =	sld [smem:$0x3F9D]  }
0x1a: {  	s8 =	sadd.s32 $0xFFFFE003, lr  }
0x1b: {  	s9 =	sadd.s32 $0xFFFFFEF7, lr;
	s5 =	simm.s32 $0xFFFFFFFF;
	p2 =	slt.u32 s8, $0xFFFFF086  }
0x1c: {  	p1 =	slt.u32 s9, $0xF7A;
	s5 =	simm.s32 @!p2 $0x0  }
0x1d: {  	s5 =	simm.s32 @p1 $0x1;
	p0 =	seq.s32 s7, s2  }
0x1e: {  	s7 =	smul.u32 @!p0 $0xF7A, s2;
	p2 =	seq.s32 @!p0 s5, $0x0  }
0x1f: {  	s9 =	smul.u32 $0xF7A, s1;
	s8 =	simm.s32 @!p0 $0x1BF5;
	p2 =	por !p2, p0  }
0x20: {  	[sflag:s8] =	ssyncset.s32 @!p0 $0xFFFFF086;
	s6 =	sadd.s32 @!p0 s3, s7;
	s7 =	simm.s32 @!p0 $0x108  }
0x21: {  	s3 =	sadd.s32 s3, s9;
	s6 =	sadd.s32 @!p0 $0x88, s6;
	s7 =	simm.s32 @p2 $0x1082  }
0x22: {  	[simem:s7], [sflag:s8] =	dma.local @!p0 [hbm:s6], $0xF7A  }
0x23: {  	s9 =	sor.u32 $0xD0000000, s2;
	s6 =	simm.s32 $0x108;
	_ =	swait.ge @!p0 [sflag:s8], $0x0  }
0x24: {  	s3 =	sadd.s32 $0x88, s3;
	s6 =	simm.s32 @!p1 $0x1082;
	[sflag:s4] =	ssyncset.s32 $0xFFFFF086  }
0x25: {  	[simem:s6], [sflag:s4] =	dma.local [hbm:s3], $0xF7A  }
0x26: {  	[smem:$0x3F9D] =	sst s1;
	(tag) =	ssettag s2;
	_ =	strace s9  }
0x27: {  	s1 =	sld [smem:$0x3FAD]  }
0x28: {  	s2 =	sld [smem:$0x3FAE]  }
0x29: {  	s4 =	sld [smem:$0x3FB0]  }
0x2a: {  	p0 =	seq.s32 s5, $0x0;
	s5 =	sld [smem:$0x3FB1]  }
0x2b: {  	s6 =	sld [smem:$0x3FB2]  }
0x2c: {  	s7 =	sld [smem:$0x3FB3]  }
0x2d: {  	s3 =	simm.s32 $0x108;
	s8 =	sld [smem:$0x3FB4]  }
0x2e: {  	s3 =	simm.s32 @!p0 $0x1082;
	s9 =	sld [smem:$0x3FB5]  }
0x2f: {  	lr =	sadd.s32 s0, s3;
	s0 =	sld [smem:$0x3FAC]  }
0x30: {  	s3 =	sld [smem:$0x3FAF]  }
0x31: {  	[smem:$0x3FB8] =	sst s10  }
0x32: {  	s10 =	sld [smem:$0x3FB6];
	_ =	sdelay $0x3  }
0x33: {  	p0 =	seq.s32 s10, $0x1;
	s10 =	sld [smem:$0x3FB8];
	_ =	sdelay $0x3  }
0x34: {  	[smem:$0x3FB8] =	sst s10  }
0x35: {  	s10 =	sld [smem:$0x3FB7];
	_ =	sdelay $0x3  }
0x36: {  	p1 =	seq.s32 s10, $0x1;
	s10 =	sld [smem:$0x3FB8];
	_ =	sdelay $0x3  }
0x37: {  	[smem:$0x3FB8] =	sst s10  }
0x38: {  	s10 =	sld [smem:$0x3FB9]  }
0x39: {  	_ = 	snop;
	(pc) =	sbr.ind lr, $3  }
0x3a: {  	_ = 	snop  }
0x3b: {  	_ = 	snop  }
0x3c: {  	p2 =	seq.s32 s10, $0x1;
	s10 =	sld [smem:$0x3FB8]  }
0x3d: {  	_ =	shalt  }
0x3e: {  	_ =	shalt  }
0x3f: {  	_ =	shalt  }
0x40: {  	_ =	shalt  }
0x41: {  	_ =	shalt  }
0x42: {  	_ =	shalt  }
0x43: {  	_ =	shalt  }
0x44: {  	_ =	shalt  }
0x45: {  	_ =	shalt  }
0x46: {  	_ =	shalt  }
0x47: {  	_ =	shalt  }
0x48: {  	_ =	shalt  }
0x49: {  	_ =	shalt  }
0x4a: {  	_ =	shalt  }
0x4b: {  	_ =	shalt  }
0x4c: {  	_ =	shalt  }
0x4d: {  	_ =	shalt  }
0x4e: {  	_ =	shalt  }
0x4f: {  	_ =	shalt  }
0x50: {  	_ =	shalt  }
0x51: {  	_ =	shalt  }
0x52: {  	_ =	shalt  }
0x53: {  	_ =	shalt  }
0x54: {  	_ =	shalt  }
0x55: {  	_ =	shalt  }
0x56: {  	_ =	shalt  }
0x57: {  	_ =	shalt  }
0x58: {  	_ =	shalt  }
0x59: {  	_ =	shalt  }
0x5a: {  	_ =	shalt  }
0x5b: {  	_ =	shalt  }
0x5c: {  	_ =	shalt  }
0x5d: {  	_ =	shalt  }
0x5e: {  	_ =	shalt  }
0x5f: {  	_ =	shalt  }
0x60: {  	_ =	shalt  }
0x61: {  	_ =	shalt  }
0x62: {  	_ =	shalt  }
0x63: {  	_ =	shalt  }
0x64: {  	_ =	shalt  }
0x65: {  	_ =	shalt  }
0x66: {  	_ =	shalt  }
0x67: {  	_ =	shalt  }
0x68: {  	_ =	shalt  }
0x69: {  	_ =	shalt  }
0x6a: {  	_ =	shalt  }
0x6b: {  	_ =	shalt  }
0x6c: {  	_ =	shalt  }
0x6d: {  	_ =	shalt  }
0x6e: {  	_ =	shalt  }
0x6f: {  	_ =	shalt  }
0x70: {  	_ =	shalt  }
0x71: {  	_ =	shalt  }
0x72: {  	_ =	shalt  }
0x73: {  	_ =	shalt  }
0x74: {  	_ =	shalt  }
0x75: {  	_ =	shalt  }
0x76: {  	_ =	shalt  }
0x77: {  	_ =	shalt  }
0x78: {  	_ =	shalt  }
0x79: {  	_ =	shalt  }
0x7a: {  	_ =	shalt  }
0x7b: {  	_ =	shalt  }
0x7c: {  	_ =	shalt  }
0x7d: {  	_ =	shalt  }
0x7e: {  	_ =	shalt  }
0x7f: {  	_ =	shalt  }
0x80: {  	_ =	shalt  }
0x81: {  	_ =	shalt  }
0x82: {  	_ =	shalt  }
0x83: {  	_ =	shalt  }
0x84: {  	_ =	shalt  }
0x85: {  	_ =	shalt  }
0x86: {  	_ =	shalt  }
0x87: {  	_ =	shalt  }
.Lfunc_end0:
.L_simem_size_0:
called_computation_lowered:
.L_overlay_start_0:
0x88: {  	s2 =	sld [smem:$0x3FD9]  }
0x89: {  	s3 =	sld [smem:$0x3FFE];
	_ =	sdelay $0x1  }
0x8a: {  	s1 =	srdreg.scid  }
0x8b: {  	s0 =	sand.u32 $0x1, s1  }
0x8c: {  	s17 =	sshll.u32 s0, $0xA;
	s2 =	sadd.s32 s3, s2  }
0x8d: {  	s2 =	sadd.s32 s2, s17  }
0x8e: {  	[smem:$0x3FC4] =	sst s2  }
0x8f: {  	_ = 	snop  }
0x90: {  	s2 =	sld [smem:$0x3FD0];
	(tm) =	ssettm $0x1  }
0x91: {  	s18 =	sld [smem:$0x3FFB];
	_ =	sdelay $0x3  }
0x92: {  	_ =	strace s18  }
0x93: {  	s3 =	sld [smem:$0x3FFC];
	_ =	sdelay $0x3  }
0x94: {  	_ =	strace s3  }
0x95: {  	s3 =	sld [smem:$0x3FFD];
	_ =	sdelay $0x3  }
0x96: {  	_ =	strace s3  }
0x97: {  	_ =	strace $0x8FFFFFFF  }
0x98: {  	s19 =	sld [smem:$0x3FDB];
	_ =	sdelay $0x1  }
0x99: {  	s4 =	simm.s32 $_scs_section_size  }
0x9a: {  	s5 =	simm.s32 $_size__tile_overlayer_lowered;
	s6 =	simm.s32 $_tile_overlayer_lowered  }
0x9b: {  	s22 =	simm.s32 $0x1BFF;
	s21 =	sshll.u32 s6, $0x1;
	s3 =	sadd.s32 s4, s19  }
0x9c: {  	s7 =	simm.s32 $0x0;
	s20 =	sshll.u32 s5, $0x1;
	s5 =	sadd.s32 s21, s3  }
0x9d: {  	[timem:s7], [sflag:s22] =	dma.local [hbm:s5], s20  }
0x9e: {  	_ =	swait.ge [sflag:s22], s20  }
0x9f: {  	s4 =	ssub.s32 $0x0, s20;
	[sflag:s22] =	ssyncset.done $0x0  }
0xa0: {  	[sflag:s22] =	ssyncadd.s32 s4;
	_ =	sdelay $0x1  }
0xa1: {  	s23 =	simm.s32 $0x1B8B  }
0xa2: {  	_ =	swait.ge [sflag:s23], $0x1  }
0xa3: {  	[sflag:s23] =	ssyncset.done $0x0  }
0xa4: {  	s25 =	simm.s32 $0x1B8E;
	s24 =	sld [smem:$0x3FFE];
	[sflag:s23] =	ssyncadd.s32 $0xFFFFFFFF  }
0xa5: {  	s26 =	simm.s32 $execute0_lowered;
	[smem:$0x3FD2] =	sst s25  }
0xa6: {  	s5 =	sshll.u32 s26, $0x1;
	_ =	strace $0x80000046;
	[dreg:$0x1] =	wrdreg $0xFFFFFFFF  }
0xa7: {  	s28 =	simm.s32 $_size_execute0_lowered;
	s3 =	sadd.s32 s3, s5;
	[dreg:$0x0] =	wrdreg $0x0  }
0xa8: {  	s5 =	sshll.u32 s28, $0x1;
	[dreg:$0x2] =	wrdreg s3  }
0xa9: {  	[dreg:$0x3] =	wrdreg s5  }
0xaa: {  	[dreg:$0x4] =	wrdreg $0xC0  }
0xab: {  	_ =	task [dreg:s7], $0x5FFFF  }
0xac: {  	[dreg:$0x1] =	wrdreg $0xFFFFFFFF  }
0xad: {  	[dreg:$0x0] =	wrdreg $0x60  }
0xae: {  	[dreg:$0x2] =	wrdreg s2  }
0xaf: {  	[dreg:$0x3] =	wrdreg s24  }
0xb0: {  	[dreg:$0x4] =	wrdreg $0x9  }
0xb1: {  	_ =	task.clear_ibuf [dreg:s7], $0x5FFFF;
	_ =	strace $0x90000046  }
0xb2: {  	s29 =	simm.s32 $0x9;
	_ =	strace $0x80000048  }
0xb3: {  	_ =	swait.ge [sflag:s29], $0x1  }
0xb4: {  	[sflag:s29] =	ssyncadd.s32 $0xFFFFFFFF  }
0xb5: {  	_ =	strace $0x90000048  }
0xb6: {  	_ =	sfence  }
0xb7: {  	s30 =	sld [smem:$0x0];
	_ =	sdelay $0x2  }
0xb8: {  	s31 =	sshll.u32 s1, $0xD;
	s1 =	sshrl.u32 s1, $0x2  }
0xb9: {  	s3 =	sand.u32 $0x4000, s31;
	s1 =	sadd.s32 s1, s30  }
0xba: {  	s0 =	sor.u32 s3, s0;
	s1 =	sshll.u32 s1, $0x11  }
0xbb: {  	s0 =	sor.u32 s1, s0  }
0xbc: {  	s0 =	sadd.s32 $0x8F2B, s0  }
0xbd: {  	[sflag:s0] =	ssyncadd.remote.s32 $0x1  }
0xbe: {  	_ =	sfence.sel $0xFFFF  }
0xbf: {  	[dreg:$0x0] =	wrdreg $0xFFFFFFFF;
	(pc) =	sbr.abs _section_cstart, $3  }
0xc0: {  	[dreg:$0x1] =	wrdreg $0xFFFFFFFF  }
0xc1: {  	_ =	task.clear_ibuf [dreg:s7], $0x2FFFF;
	_ =	strace $0x9FFFFFFF  }
0xc2: {  	(tm) =	ssettm $0x7FFFFFFF  }
0xc3: {  	_ =	shalt  }
tec
execute0_lowered:
.L_overlay_start_1:
0x0: {  	(tag) =	ssettag $0x1  }
0x1: {  	s0 =	srdreg.scid;
	s2 =	rddreg [dreg:$0x0]  }
0x2: {  	s5 =	rddreg [dreg:$0x1];
	s1 =	stileid.u32  }
0x3: {  	s3 =	simm.s32 $0x0;
	s9 =	simm.s32 $0x3;
	s10 =	simm.s32 $0x2780  }
0x4: {  	s11 =	simm.s32 $0x190;
	s12 =	simm.s32 $0x4F00;
	s4 =	sand.u32 $0x1, s0  }
0x5: {  	s13 =	simm.s32 $0x11700;
	s14 =	simm.s32 $0x1;
	s6 =	sshll.u32 s4, $0x4  }
0x6: {  	s15 =	simm.s32 $0x2;
	s8 =	smul.u32 $0x27100, s1;
	s6 =	sor.u32 s1, s6  }
0x7: {  	s16 =	simm.s32 $0x0;
	s0 =	rddreg [dreg:$0x2];
	s6 =	smul.u32 $0x2710, s6  }
0x8: {  	[smem:$0x7FF] =	sst s3;
	s7 =	smul.u32 $0x271000, s4;
	s4 =	ssub.s32 $0x2, s4  }
0x9: {  	_ =	strace $0x80000047;
	s31 =	sshrl.u32 s4, $0x1;
	s6 =	sshrl.u32 s6, $0x3  }
0xa: {  	s6 =	sadd.s32 s6, s5;
	s5 =	sadd.s32 s7, s5;
	s7 =	ssub.s32 s4, s31  }
0xb: {  	s4 =	sadd.s32 $0xB400, s6;
	s8 =	sadd.s32 s8, s5;
	s5 =	sadd.s32 $0x1600, s6  }
0xc: {  	s6 =	smax.u32 s7, $0x1;
	s7 =	sadd.s32 $0x15200, s8;
	s8 =	sadd.s32 $0x4F7200, s8  }
.LBB2_1:
0xd: {  	[tilespmem:s3], [sflag:$0x3] =	stream.linear.gather [hbm4b:s4+s3], $0x2710, $0x38;
	[tilespmem:$0x1DF00] =	vst v63  }
0xe: {  	_ =	swait.ge [sflag:s9], $0x2710  }
0xf: {  	[sflag:s9] =	ssyncset.done $0x0  }
0x10: {  	[sflag:s9] =	ssyncadd.s32 $0xFFFFD8F0  }
0x11: {  	[tilespmem:s10], [sflag:$0x3] =	stream.linear.gather [hbm4b:s5+s3], $0x2710, $0x38;
	[tilespmem:$0x1DF00] =	vst v63  }
0x12: {  	_ =	swait.ge [sflag:s9], $0x2710  }
0x13: {  	[sflag:s9] =	ssyncset.done $0x0  }
0x14: {  	s17 =	simm.s32 $0x0;
	[sflag:s9] =	ssyncadd.s32 $0xFFFFD8F0  }
0x15: {  	[tilespmem:s12], [sflag:$0x1] =	stream.indirect.gather [hbm4b:s2+s11], $0x80, s17, s11, $0xb8;
	[tilespmem:$0x1DF00] =	vst v63  }
0x16: {  	s31 =	simm.s32 $0x2780  }
0x17: {  	[tilespmem:s13], [sflag:$0x1] =	stream.indirect.gather [hbm4b:s2+s11], $0x80, s31, s11, $0xb8;
	[tilespmem:$0x1DF00] =	vst v63  }
0x18: {  	_ =	swait.ge [sflag:s14], $0xC800  }
0x19: {  	[sflag:s14] =	ssyncset.done $0x0  }
0x1a: {  	[sflag:s14] =	ssyncadd.s32 $0xFFFF3800  }
0x1b: {  	_ =	swait.ge [sflag:s14], $0xC800  }
0x1c: {  	[sflag:s14] =	ssyncset.done $0x0  }
0x1d: {  	[sflag:s14] =	ssyncadd.s32 $0xFFFF3800  }
0x1e: {  	[hbm4b:s7+s3] =	stream.linear.scatter [tilespmem:s12], [sflag:$0x2], $0xC800, $0x38;
	[tilespmem:$0x1DF00] =	vst v63  }
0x1f: {  	_ = 	snop  }
0x20: {  	[hbm4b:s8+s3] =	stream.linear.scatter [tilespmem:s13], [sflag:$0x2], $0xC800, $0x38;
	[tilespmem:$0x1DF00] =	vst v63  }
0x21: {  	_ =	swait.ge [sflag:s15], $0xC800  }
0x22: {  	[sflag:s15] =	ssyncset.done $0x0  }
0x23: {  	[sflag:s15] =	ssyncadd.s32 $0xFFFF3800  }
0x24: {  	s19 =	simm.s32 $0x640;
	s20 =	simm.s32 $0xC80;
	_ =	swait.ge [sflag:s15], $0xC800  }
0x25: {  	s18 =	sadd.s32 $0x1900, s8;
	s17 =	sadd.s32 $0x1900, s7;
	[sflag:s15] =	ssyncset.done $0x0  }
.LBB2_2:
0x26: {  	s21 =	sshra.s32 s19, $0x2  }
0x27: {  	[sflag:s15] =	ssyncadd.s32 $0xFFFF3800;
	s19 =	smov.u32 s20;
	s22 =	sadd.s32 $0x640, s20  }
0x28: {  	[tilespmem:s12], [sflag:$0x1] =	stream.indirect.gather [hbm4b:s2+s11], $0x80, s21, s11, $0xb8;
	[tilespmem:$0x1DF00] =	vst v63  }
0x29: {  	p0 =	sne.s32 s20, $0x9600;
	s20 =	sadd.s32 $0x2780, s21  }
0x2a: {  	[tilespmem:s13], [sflag:$0x1] =	stream.indirect.gather [hbm4b:s2+s11], $0x80, s20, s11, $0xb8;
	[tilespmem:$0x1DF00] =	vst v63  }
0x2b: {  	_ =	swait.ge [sflag:s14], $0xC800  }
0x2c: {  	[sflag:s14] =	ssyncset.done $0x0  }
0x2d: {  	[sflag:s14] =	ssyncadd.s32 $0xFFFF3800  }
0x2e: {  	_ =	swait.ge [sflag:s14], $0xC800  }
0x2f: {  	[sflag:s14] =	ssyncset.done $0x0  }
0x30: {  	[sflag:s14] =	ssyncadd.s32 $0xFFFF3800  }
0x31: {  	[hbm4b:s17+s3] =	stream.linear.scatter [tilespmem:s12], [sflag:$0x2], $0xC800, $0x38;
	[tilespmem:$0x1DF00] =	vst v63  }
0x32: {  	_ = 	snop  }
0x33: {  	[hbm4b:s18+s3] =	stream.linear.scatter [tilespmem:s13], [sflag:$0x2], $0xC800, $0x38;
	[tilespmem:$0x1DF00] =	vst v63  }
.Ltmp0:
0x34: {  	_ =	swait.ge [sflag:s15], $0xC800;
	(pc) =	sbr.rel @p0 .LBB2_2-.Ltmp0, $4  }
0x35: {  	[sflag:s15] =	ssyncset.done $0x0  }
0x36: {  	[sflag:s15] =	ssyncadd.s32 $0xFFFF3800  }
0x37: {  	s20 =	smov.u32 s22;
	_ =	swait.ge [sflag:s15], $0xC800  }
0x38: {  	s17 =	sadd.s32 $0x1900, s17;
	s18 =	sadd.s32 $0x1900, s18;
	[sflag:s15] =	ssyncset.done $0x0  }
0x39: {  	s19 =	sshra.s32 s19, $0x2;
	[sflag:s15] =	ssyncadd.s32 $0xFFFF3800  }
0x3a: {  	[tilespmem:s12], [sflag:$0x1] =	stream.indirect.gather [hbm4b:s2+s11], $0x80, s19, s11, $0xb8;
	[tilespmem:$0x1DF00] =	vst v63  }
0x3b: {  	s19 =	sadd.s32 $0x2780, s19  }
0x3c: {  	[tilespmem:s13], [sflag:$0x1] =	stream.indirect.gather [hbm4b:s2+s11], $0x80, s19, s11, $0xb8;
	[tilespmem:$0x1DF00] =	vst v63  }
0x3d: {  	_ =	swait.ge [sflag:s14], $0xC800  }
0x3e: {  	[sflag:s14] =	ssyncset.done $0x0  }
0x3f: {  	[sflag:s14] =	ssyncadd.s32 $0xFFFF3800  }
0x40: {  	_ =	swait.ge [sflag:s14], $0xC800  }
0x41: {  	[sflag:s14] =	ssyncset.done $0x0  }
0x42: {  	[sflag:s14] =	ssyncadd.s32 $0xFFFF3800  }
0x43: {  	[hbm4b:s17+s3] =	stream.linear.scatter [tilespmem:s12], [sflag:$0x2], $0xC800, $0x38;
	[tilespmem:$0x1DF00] =	vst v63  }
0x44: {  	s16 =	sadd.s32 $0x1, s16  }
0x45: {  	[hbm4b:s18+s3] =	stream.linear.scatter [tilespmem:s13], [sflag:$0x2], $0xC800, $0x38;
	[tilespmem:$0x1DF00] =	vst v63  }
0x46: {  	p0 =	sne.s32 s16, s6;
	_ =	swait.ge [sflag:s15], $0xC800  }
.Ltmp1:
0x47: {  	[sflag:s15] =	ssyncset.done $0x0;
	(pc) =	sbr.rel @p0 .LBB2_1-.Ltmp1, $4  }
0x48: {  	[sflag:s15] =	ssyncadd.s32 $0xFFFF3800  }
0x49: {  	_ =	swait.ge [sflag:s15], $0xC800  }
0x4a: {  	[sflag:s15] =	ssyncset.done $0x0  }
0x4b: {  	[sflag:s15] =	ssyncadd.s32 $0xFFFF3800  }
0x4c: {  	_ =	sfence.sel $0x180000  }
0x4d: {  	[bflag:$0x0] =	sbarrier.arrive $0xFFFF  }
0x4e: {  	p0 =	sne.s32 s1, $0x0;
	_ =	strace $0x90000047  }
0x4f: {  	s0 =	sadd.s32 @!p0 $0x100000, s0;
	[bflag:$0x2] =	sbarrier.arrive $0xFFFF  }
0x50: {  	[sflag:s0] =	ssyncadd.tile.s32 @!p0 $0x1;
	_ =	shalt  }
.Lfunc_end2:
_tile_overlayer_lowered:
.L_overlay_start_2:
0x51: {  	(tag) =	ssettag $0x2  }
0x52: {  	s0 =	rddreg [dreg:$0x0];
	s2 =	stileid.u32  }
0x53: {  	s1 =	rddreg [dreg:$0x1];
	p0 =	sne.s32 s2, $0x0  }
0x54: {  	s3 =	rddreg [dreg:$0x2];
	[bflag:$0x3] =	sbarrier.arrive $0xFFFF;
	s2 =	simm.s32 @!p0 $0x1C03  }
0x55: {  	[timem:s3], [sflag:s2] =	dma.local @!p0 [hbm:s0], s1  }
0x56: {  	s0 =	simm.s32 @!p0 $0x3  }
0x57: {  	_ =	swait.ge @!p0 [sflag:s0], s1  }
0x58: {  	s1 =	ssub.s32 @!p0 $0x0, s1;
	[sflag:s0] =	ssyncset.done @!p0 $0x0  }
0x59: {  	[sflag:s0] =	ssyncadd.s32 @!p0 s1  }
0x5a: {  	[bflag:$0x3] =	sbarrier.arrive $0xFFFF  }
0x5b: {  	_ =	shalt  }

</sc_bundles>
